<compile_context>
chip_gen: v7x
topology: tpu7x:2x2x1
jax: 0.10.2.dev20260603
libtpu: 0.0.44.dev20260713+nightly
codegen_flags: <defaults>
</compile_context>

<pallas_src>
import functools

import jax
import jax.numpy as jnp
import numpy as np
from jax import lax
from jax.experimental import pallas as pl
from jax.experimental.pallas import tpu as pltpu
from jax.experimental.pallas import tpu_sc as plsc

_N = 2048
_D = 1024
_E = 8
_DFF = 1024
_LANE = 128
_NEG = -3.0e38
_EPS = float(np.finfo(np.float64).eps)

_B = 256
_NBLK = (2 * _N) // _B + _E
_CAP = _NBLK * _B
_NW = 32
_TPW = _N // _NW


def _gating_body(x_ref, wg_ref, g1_ref, g2_ref, pos_ref, blk_ref,
                 loss_ref, o_ref):
    x = x_ref[...]
    logits = jnp.dot(x, wg_ref[...], preferred_element_type=jnp.float32)
    n = logits.shape[0]
    col = jax.lax.broadcasted_iota(jnp.int32, (n, _LANE), 1)
    valid = col < _E
    neg = jnp.where(valid, logits, _NEG)
    m1 = jnp.max(neg, axis=1, keepdims=True)
    i1 = jnp.min(jnp.where(neg == m1, col, _LANE), axis=1, keepdims=True)
    neg2 = jnp.where(col == i1, _NEG, neg)
    m2 = jnp.max(neg2, axis=1, keepdims=True)
    i2 = jnp.min(jnp.where(neg2 == m2, col, _LANE), axis=1, keepdims=True)
    t = jnp.exp(m2 - m1)
    g1 = 1.0 / (1.0 + t)
    g2 = t / (1.0 + t)
    g1_ref[...] = g1
    g2_ref[...] = g2

    one_hot1 = jnp.where(col == i1, 1.0, 0.0)
    one_hot2 = jnp.where(col == i2, 1.0, 0.0)
    o_ref[:n, :] = one_hot1
    o_ref[n:, :] = one_hot2

    gates = one_hot1 * g1 + one_hot2 * g2
    imp = jnp.sum(gates, axis=0, keepdims=True)
    load = jnp.sum((gates > 0.0).astype(jnp.float32), axis=0, keepdims=True)

    def _cv2(v):
        mean = jnp.sum(jnp.where(col[:1] < _E, v, 0.0)) / _E
        var = jnp.sum(jnp.where(col[:1] < _E, (v - mean) ** 2, 0.0)) / (_E - 1)
        return var / (mean * mean + 1e-10)

    loss_ref[0, 0] = _cv2(imp) + _cv2(load)

    counts = jnp.sum(one_hot1, axis=0, keepdims=True) + jnp.sum(
        one_hot2, axis=0, keepdims=True)
    pblocks = jnp.floor((counts + (_B - 1.0)) / _B)
    rowi = jax.lax.broadcasted_iota(jnp.int32, (_LANE, _LANE), 0)
    coli = jax.lax.broadcasted_iota(jnp.int32, (_LANE, _LANE), 1)
    tri_excl = jnp.where(rowi < coli, 1.0, 0.0)
    tri_incl = jnp.where(rowi <= coli, 1.0, 0.0)
    starts = jnp.dot(pblocks * _B, tri_excl,
                     preferred_element_type=jnp.float32)
    ecum_b = jnp.dot(pblocks, tri_incl,
                     preferred_element_type=jnp.float32)

    sub = rowi.astype(jnp.float32)
    hit = jnp.where((jnp.broadcast_to(ecum_b, (_LANE, _LANE)) <= sub)
                    & (coli < _E), 1.0, 0.0)
    blk_ref[...] = jnp.minimum(jnp.sum(hit, axis=1, keepdims=True),
                               _E - 1.0).astype(jnp.int32)

    r256 = jax.lax.broadcasted_iota(jnp.int32, (_B, _B), 0)
    c256 = jax.lax.broadcasted_iota(jnp.int32, (_B, _B), 1)
    tri256 = jnp.where(r256 >= c256, 1.0, 0.0)

    def _chunk(j, carry):
        blk = o_ref[pl.ds(j * _B, _B), :]
        incl = jnp.dot(tri256, blk, preferred_element_type=jnp.float32)
        posm = incl - blk + carry + starts
        posr = jnp.sum(jnp.where(blk > 0.0, posm, 0.0), axis=1, keepdims=True)
        pos_ref[pl.ds(j * _B, _B), :] = posr.astype(jnp.int32)
        return carry + jnp.sum(blk, axis=0, keepdims=True)

    lax.fori_loop(0, (2 * n) // _B, _chunk, jnp.zeros((1, _LANE), jnp.float32))


def _gating_call(x, wg_pad):
    n, d = x.shape
    return pl.pallas_call(
        _gating_body,
        out_shape=(
            jax.ShapeDtypeStruct((n, 1), jnp.float32),
            jax.ShapeDtypeStruct((n, 1), jnp.float32),
            jax.ShapeDtypeStruct((2 * n, 1), jnp.int32),
            jax.ShapeDtypeStruct((_LANE, 1), jnp.int32),
            jax.ShapeDtypeStruct((1, 1), jnp.float32),
        ),
        in_specs=[
            pl.BlockSpec((n, d), lambda: (0, 0)),
            pl.BlockSpec((d, _LANE), lambda: (0, 0)),
        ],
        out_specs=(
            pl.BlockSpec((n, 1), lambda: (0, 0)),
            pl.BlockSpec((n, 1), lambda: (0, 0)),
            pl.BlockSpec((2 * n, 1), lambda: (0, 0)),
            pl.BlockSpec((_LANE, 1), lambda: (0, 0)),
            pl.BlockSpec(memory_space=pltpu.SMEM),
        ),
        scratch_shapes=[pltpu.VMEM((2 * n, _LANE), jnp.float32)],
    )(x, wg_pad)


def _dispatch_call(pos_d, x):
    mesh = plsc.VectorSubcoreMesh(core_axis_name="c", subcore_axis_name="s")

    @functools.partial(
        pl.kernel, mesh=mesh,
        out_type=jax.ShapeDtypeStruct((_CAP, _D), jnp.float32),
        scratch_types=[
            pltpu.VMEM((2, _TPW), jnp.int32),
            pltpu.VMEM((_TPW, _D), jnp.float32),
            pltpu.SemaphoreType.DMA,
            pltpu.SemaphoreType.DMA,
        ],
    )
    def k(pos_hbm, x_hbm, xs_hbm, idx_v, rows_v, sem0, sem1):
        wid = lax.axis_index("c") * 16 + lax.axis_index("s")
        t0 = wid * _TPW
        pltpu.sync_copy(pos_hbm.at[wid], idx_v)
        pltpu.sync_copy(x_hbm.at[pl.ds(t0, _TPW), :], rows_v)
        c0 = pltpu.async_copy(rows_v, xs_hbm.at[idx_v.at[0]], sem0)
        c1 = pltpu.async_copy(rows_v, xs_hbm.at[idx_v.at[1]], sem1)
        c0.wait()
        c1.wait()

    return k(pos_d, x)


def _expert_body(be_ref, xs_ref, w1_ref, b1_ref, w2_ref, b2_ref, o_ref):
    h = jnp.dot(xs_ref[...], w1_ref[0],
                preferred_element_type=jnp.float32) + b1_ref[0]
    h = jnp.maximum(h, 0.0)
    out = jnp.dot(h, w2_ref[0], preferred_element_type=jnp.float32) + b2_ref[0]
    o_ref[...] = jnp.exp(out)


def _expert_call(x_sorted, blk_expert, W1, b1r, W2, b2r):
    grid_spec = pltpu.PrefetchScalarGridSpec(
        num_scalar_prefetch=1,
        grid=(_NBLK,),
        in_specs=[
            pl.BlockSpec((_B, _D), lambda i, be: (i, 0)),
            pl.BlockSpec((1, _D, _DFF), lambda i, be: (be[i], 0, 0)),
            pl.BlockSpec((1, 1, _DFF), lambda i, be: (be[i], 0, 0)),
            pl.BlockSpec((1, _DFF, _D), lambda i, be: (be[i], 0, 0)),
            pl.BlockSpec((1, 1, _D), lambda i, be: (be[i], 0, 0)),
        ],
        out_specs=pl.BlockSpec((_B, _D), lambda i, be: (i, 0)),
    )
    return pl.pallas_call(
        _expert_body,
        grid_spec=grid_spec,
        out_shape=jax.ShapeDtypeStruct((_CAP, _D), jnp.float32),
    )(blk_expert, x_sorted, W1, b1r, W2, b2r)


def _combine_gather_call(pos_r, out_exp):
    mesh = plsc.VectorSubcoreMesh(core_axis_name="c", subcore_axis_name="s")
    half = _TPW // 2

    @functools.partial(
        pl.kernel, mesh=mesh,
        out_type=(jax.ShapeDtypeStruct((_N, _D), jnp.float32),
                  jax.ShapeDtypeStruct((_N, _D), jnp.float32)),
        scratch_types=[
            pltpu.VMEM((2, 2, half), jnp.int32),
            pltpu.VMEM((2, half, _D), jnp.float32),
            pltpu.SemaphoreType.DMA,
            pltpu.SemaphoreType.DMA,
        ],
    )
    def k(pos_hbm, oe_hbm, c0_hbm, c1_hbm, idx_v, rows_v, sem0, sem1):
        wid = lax.axis_index("c") * 16 + lax.axis_index("s")
        t0 = wid * _TPW
        pltpu.sync_copy(pos_hbm.at[wid], idx_v)
        sems = (sem0, sem1)
        dsts = (c0_hbm, c0_hbm, c1_hbm, c1_hbm)
        cur = pltpu.async_copy(oe_hbm.at[idx_v.at[0, 0]], rows_v.at[0], sem0)
        for j in range(4):
            k_, h = j // 2, j % 2
            cur.wait()
            if j + 1 < 4:
                nxt = pltpu.async_copy(
                    oe_hbm.at[idx_v.at[(j + 1) // 2, (j + 1) % 2]],
                    rows_v.at[(j + 1) % 2], sems[(j + 1) % 2])
            pltpu.sync_copy(rows_v.at[j % 2],
                            dsts[j].at[pl.ds(t0 + h * half, half), :])
            if j + 1 < 4:
                cur = nxt

    return k(pos_r, out_exp)


def _combine_body(c0_ref, c1_ref, g1_ref, g2_ref, y_ref):
    bf = jnp.bfloat16
    g1 = g1_ref[...].astype(bf).astype(jnp.float32)
    g2 = g2_ref[...].astype(bf).astype(jnp.float32)
    c0 = c0_ref[...].astype(bf).astype(jnp.float32)
    c1 = c1_ref[...].astype(bf).astype(jnp.float32)
    comb = g1 * c0 + g2 * c1
    y_ref[...] = jnp.log(jnp.where(comb == 0.0, _EPS, comb))


def _combine_call(c0, c1, g1, g2):
    bn = 256
    return pl.pallas_call(
        _combine_body,
        grid=(_N // bn,),
        in_specs=[
            pl.BlockSpec((bn, _D), lambda i: (i, 0)),
            pl.BlockSpec((bn, _D), lambda i: (i, 0)),
            pl.BlockSpec((bn, 1), lambda i: (i, 0)),
            pl.BlockSpec((bn, 1), lambda i: (i, 0)),
        ],
        out_specs=pl.BlockSpec((bn, _D), lambda i: (i, 0)),
        out_shape=jax.ShapeDtypeStruct((_N, _D), jnp.float32),
    )(c0, c1, g1, g2)


def kernel(x, w_gate, w_noise, W1, b1, W2, b2):
    del w_noise
    wg_pad = jnp.pad(w_gate, ((0, 0), (0, _LANE - _E)))
    g1, g2, pos, blk_expert, loss = _gating_call(x, wg_pad)
    pos_r = pos.reshape(2, _NW, 2, _TPW // 2).transpose(1, 0, 2, 3)
    blk = blk_expert.reshape(_LANE)[:_NBLK]
    x_sorted = _dispatch_call(pos_r.reshape(_NW, 2, _TPW), x)
    out_exp = _expert_call(x_sorted, blk, W1, b1[:, None, :], W2,
                           b2[:, None, :])
    c0, c1 = _combine_gather_call(pos_r, out_exp)
    y = _combine_call(c0, c1, g1, g2)
    return y, loss[0, 0]

# --- scband reference (transcript-rebuilt; emitter-appended) ---
"""Pipeline reference for scband-mo-e-preprocessed-46205258171031 (READ-ONLY COPY).

The authoritative reference and input builder live on the scoring server;
editing this copy changes nothing except your own understanding.
"""

import jax, jax.numpy as jnp
import numpy as np

N = 2048
D = 1024
E = 8
K = 2
DFF = 1024


def setup_inputs(seed: int = 0) -> dict:
    key = jax.random.key(seed)
    ks = jax.random.split(key, 8)
    x = jax.random.normal(ks[0], (N, D), dtype=jnp.float32)
    # learned parameters per MoE_preprocessed.__init__ (w_gate/w_noise are [input_size, num_experts]);
    # experts are modeled as per-expert 2-layer MLPs (the original HDM experts load cached
    # predictions from disk, which is replaced by a tensorizable expert network)
    w_gate = jax.random.normal(ks[1], (D, E), dtype=jnp.float32) * 0.02
    w_noise = jax.random.normal(ks[2], (D, E), dtype=jnp.float32) * 0.02
    W1 = jax.random.normal(ks[3], (E, D, DFF), dtype=jnp.float32) * 0.02
    b1 = jnp.zeros((E, DFF), dtype=jnp.float32)
    W2 = jax.random.normal(ks[4], (E, DFF, D), dtype=jnp.float32) * 0.02
    b2 = jnp.zeros((E, D), dtype=jnp.float32)
    return {"x": x, "w_gate": w_gate, "w_noise": w_noise, "W1": W1, "b1": b1, "W2": W2, "b2": b2}


def _cv_squared(v):
    eps = 1e-10
    # torch .var() defaults to unbiased (ddof=1)
    return jnp.var(v, ddof=1) / (jnp.mean(v) ** 2 + eps)


def reference(x, w_gate, w_noise, W1, b1, W2, b2):
    k = K
    num_experts = E
    n = x.shape[0]
    # noisy_top_k_gating (eval path: train=False, so no noise is added; noise branch
    # uses w_noise only during training)
    clean_logits = x @ w_gate
    logits = clean_logits
    # top-(k+1) as in original (k+1 kept for _prob_in_top_k during training)
    top_logits, top_indices = jax.lax.top_k(logits, k + 1)
    top_k_logits = top_logits[:, :k]
    top_k_indices = top_indices[:, :k]
    top_k_gates = jax.nn.softmax(top_k_logits, axis=1)
    gates = jnp.zeros((n, num_experts), dtype=x.dtype).at[
        jnp.arange(n)[:, None], top_k_indices
    ].set(top_k_gates)
    # load-balancing auxiliary loss
    importance = gates.sum(axis=0)
    load = (gates > 0).sum(axis=0).astype(jnp.float32)
    loss = _cv_squared(importance) + _cv_squared(load)
    # SparseDispatcher dispatch/combine, computed densely (mathematically identical:
    # tokens with gate==0 for an expert contribute 0 to the combine sum)
    h = jnp.einsum('nd,edf->enf', x, W1) + b1[:, None, :]
    h = jax.nn.relu(h)
    expert_out = jnp.einsum('enf,efd->end', h, W2) + b2[:, None, :]
    # combine(): stitched = expert_out.exp() * gates; index_add; zeros -> eps; log
    combined = jnp.einsum('ne,end->nd', gates, jnp.exp(expert_out))
    eps = np.finfo(float).eps
    combined = jnp.where(combined == 0, eps, combined)
    y = jnp.log(combined)
    return y, loss

if __name__ == "__main__":
    import jax
    _d = setup_inputs()
    print(jax.jit(kernel)(*tuple(_d.values())))

</pallas_src>

<mosaic_0001>
#map = affine_map<(d0, d1) -> (0, 0, 0)>
#map1 = affine_map<(d0, d1) -> (0, 0)>
module attributes {stable_mosaic.version = 14 : i64} {
  func.func @k(%arg0: i32, %arg1: i32, %arg2: memref<32x2x64xi32, #tpu.memory_space<hbm>>, %arg3: memref<2048x1024xf32, #tpu.memory_space<hbm>>, %arg4: memref<6144x1024xf32, #tpu.memory_space<hbm>>, %arg5: memref<2x64xi32, #tpu.memory_space<vmem>>, %arg6: memref<64x1024xf32, #tpu.memory_space<vmem>>, %arg7: memref<!tpu.dma_semaphore, #tpu.memory_space<semaphore_mem>>, %arg8: memref<!tpu.dma_semaphore, #tpu.memory_space<semaphore_mem>>) attributes {dimension_semantics = [#tpu.dimension_semantics<core_parallel>, #tpu.dimension_semantics<subcore_parallel>], iteration_bounds = array<i64: 2, 16>, scalar_prefetch = 0 : i64, scratch_operands = 4 : i64, tpu.core_type = #tpu.core_type<sc_vector_subcore>, window_params = [{transform_indices = #map}, {transform_indices = #map1}, {transform_indices = #map1}]} {
    %mul3A = arith.constant 16 : i32
    %mul3A_0 = arith.muli %arg0, %mul3A : i32
    %add3A = arith.addi %mul3A_0, %arg1 : i32
    %mul3A_1 = arith.constant 64 : i32
    %mul3A_2 = arith.muli %add3A, %mul3A_1 : i32
    "tpu.region"() ({
      %run_scoped3A = tpu.sem_alloc : memref<!tpu.dma_semaphore, #tpu.memory_space<semaphore_mem>>
      %dma_start3A_29 = arith.constant 0 : i32
      %dma_start3A_30 = arith.constant 0 : i32
      %dma_start3A_31 = tpu.memref_slice %arg2[%add3A, %dma_start3A_29, %dma_start3A_30] : memref<32x2x64xi32, #tpu.memory_space<hbm>> -> memref<1x2x64xi32, #tpu.memory_space<hbm>>
      %dma_start3A_32 = tpu.memref_squeeze %dma_start3A_31 : memref<1x2x64xi32, #tpu.memory_space<hbm>> -> memref<2x64xi32, #tpu.memory_space<hbm>>
      %dma_start3A_33 = arith.constant 0 : i32
      %dma_start3A_34 = arith.constant 0 : i32
      %dma_start3A_35 = tpu.memref_slice %arg2[%add3A, %dma_start3A_33, %dma_start3A_34] : memref<32x2x64xi32, #tpu.memory_space<hbm>> -> memref<1x2x64xi32, #tpu.memory_space<hbm>>
      %dma_start3A_36 = tpu.memref_squeeze %dma_start3A_35 : memref<1x2x64xi32, #tpu.memory_space<hbm>> -> memref<2x64xi32, #tpu.memory_space<hbm>>
      tpu.enqueue_dma source(%dma_start3A_36 : memref<2x64xi32, #tpu.memory_space<hbm>>) target(%arg5 : memref<2x64xi32, #tpu.memory_space<vmem>>) target_semaphore(%run_scoped3A : memref<!tpu.dma_semaphore, #tpu.memory_space<semaphore_mem>>)
      %dma_wait3A_37 = arith.constant 0 : i32
      %dma_wait3A_38 = arith.constant 0 : i32
      %dma_wait3A_39 = tpu.memref_slice %arg2[%add3A, %dma_wait3A_37, %dma_wait3A_38] : memref<32x2x64xi32, #tpu.memory_space<hbm>> -> memref<1x2x64xi32, #tpu.memory_space<hbm>>
      %dma_wait3A_40 = tpu.memref_squeeze %dma_wait3A_39 : memref<1x2x64xi32, #tpu.memory_space<hbm>> -> memref<2x64xi32, #tpu.memory_space<hbm>>
      %dma_wait3A_41 = arith.constant 0 : i32
      %dma_wait3A_42 = arith.constant 0 : i32
      %dma_wait3A_43 = tpu.memref_slice %arg2[%add3A, %dma_wait3A_41, %dma_wait3A_42] : memref<32x2x64xi32, #tpu.memory_space<hbm>> -> memref<1x2x64xi32, #tpu.memory_space<hbm>>
      %dma_wait3A_44 = tpu.memref_squeeze %dma_wait3A_43 : memref<1x2x64xi32, #tpu.memory_space<hbm>> -> memref<2x64xi32, #tpu.memory_space<hbm>>
      tpu.wait_dma2 semaphore(%run_scoped3A : memref<!tpu.dma_semaphore, #tpu.memory_space<semaphore_mem>>) src(%dma_wait3A_44 : memref<2x64xi32, #tpu.memory_space<hbm>>) dst(%arg5 : memref<2x64xi32, #tpu.memory_space<vmem>>)
      tpu.yield
    }) : () -> ()
    "tpu.region"() ({
      %run_scoped3A = tpu.sem_alloc : memref<!tpu.dma_semaphore, #tpu.memory_space<semaphore_mem>>
      %dma_start3A_29 = arith.constant 0 : i32
      %dma_start3A_30 = tpu.memref_slice %arg3[%mul3A_2, %dma_start3A_29] : memref<2048x1024xf32, #tpu.memory_space<hbm>> -> memref<64x1024xf32, #tpu.memory_space<hbm>>
      %dma_start3A_31 = arith.constant 0 : i32
      %dma_start3A_32 = tpu.memref_slice %arg3[%mul3A_2, %dma_start3A_31] : memref<2048x1024xf32, #tpu.memory_space<hbm>> -> memref<64x1024xf32, #tpu.memory_space<hbm>>
      tpu.enqueue_dma source(%dma_start3A_32 : memref<64x1024xf32, #tpu.memory_space<hbm>>) target(%arg6 : memref<64x1024xf32, #tpu.memory_space<vmem>>) target_semaphore(%run_scoped3A : memref<!tpu.dma_semaphore, #tpu.memory_space<semaphore_mem>>)
      %dma_wait3A_33 = arith.constant 0 : i32
      %dma_wait3A_34 = tpu.memref_slice %arg3[%mul3A_2, %dma_wait3A_33] : memref<2048x1024xf32, #tpu.memory_space<hbm>> -> memref<64x1024xf32, #tpu.memory_space<hbm>>
      %dma_wait3A_35 = arith.constant 0 : i32
      %dma_wait3A_36 = tpu.memref_slice %arg3[%mul3A_2, %dma_wait3A_35] : memref<2048x1024xf32, #tpu.memory_space<hbm>> -> memref<64x1024xf32, #tpu.memory_space<hbm>>
      tpu.wait_dma2 semaphore(%run_scoped3A : memref<!tpu.dma_semaphore, #tpu.memory_space<semaphore_mem>>) src(%dma_wait3A_36 : memref<64x1024xf32, #tpu.memory_space<hbm>>) dst(%arg6 : memref<64x1024xf32, #tpu.memory_space<vmem>>)
      tpu.yield
    }) : () -> ()
    %dma_start3A = arith.constant 0 : i32
    %dma_start3A_3 = arith.constant 0 : i32
    %dma_start3A_4 = tpu.memref_slice %arg5[%dma_start3A, %dma_start3A_3] : memref<2x64xi32, #tpu.memory_space<vmem>> -> memref<1x64xi32, #tpu.memory_space<vmem>>
    %dma_start3A_5 = tpu.memref_squeeze %dma_start3A_4 : memref<1x64xi32, #tpu.memory_space<vmem>> -> memref<64xi32, #tpu.memory_space<vmem>>
    %dma_start3A_6 = arith.constant 0 : i32
    %dma_start3A_7 = arith.constant 0 : i32
    %dma_start3A_8 = tpu.memref_slice %arg4[%dma_start3A_6, %dma_start3A_7] : memref<6144x1024xf32, #tpu.memory_space<hbm>> -> memref<6144x1024xf32, #tpu.memory_space<hbm>>
    tpu.enqueue_indirect_dma source(%arg6 : memref<64x1024xf32, #tpu.memory_space<vmem>>) target(%dma_start3A_8 : memref<6144x1024xf32, #tpu.memory_space<hbm>>) offsets(%dma_start3A_5 : memref<64xi32, #tpu.memory_space<vmem>>) semaphore(%arg7 : memref<!tpu.dma_semaphore, #tpu.memory_space<semaphore_mem>>)
    %dma_start3A_9 = arith.constant 1 : i32
    %dma_start3A_10 = arith.constant 0 : i32
    %dma_start3A_11 = tpu.memref_slice %arg5[%dma_start3A_9, %dma_start3A_10] : memref<2x64xi32, #tpu.memory_space<vmem>> -> memref<1x64xi32, #tpu.memory_space<vmem>>
    %dma_start3A_12 = tpu.memref_squeeze %dma_start3A_11 : memref<1x64xi32, #tpu.memory_space<vmem>> -> memref<64xi32, #tpu.memory_space<vmem>>
    %dma_start3A_13 = arith.constant 0 : i32
    %dma_start3A_14 = arith.constant 0 : i32
    %dma_start3A_15 = tpu.memref_slice %arg4[%dma_start3A_13, %dma_start3A_14] : memref<6144x1024xf32, #tpu.memory_space<hbm>> -> memref<6144x1024xf32, #tpu.memory_space<hbm>>
    tpu.enqueue_indirect_dma source(%arg6 : memref<64x1024xf32, #tpu.memory_space<vmem>>) target(%dma_start3A_15 : memref<6144x1024xf32, #tpu.memory_space<hbm>>) offsets(%dma_start3A_12 : memref<64xi32, #tpu.memory_space<vmem>>) semaphore(%arg8 : memref<!tpu.dma_semaphore, #tpu.memory_space<semaphore_mem>>)
    %dma_wait3A = arith.constant 0 : i32
    %dma_wait3A_16 = arith.constant 0 : i32
    %dma_wait3A_17 = tpu.memref_slice %arg5[%dma_wait3A, %dma_wait3A_16] : memref<2x64xi32, #tpu.memory_space<vmem>> -> memref<1x64xi32, #tpu.memory_space<vmem>>
    %dma_wait3A_18 = tpu.memref_squeeze %dma_wait3A_17 : memref<1x64xi32, #tpu.memory_space<vmem>> -> memref<64xi32, #tpu.memory_space<vmem>>
    %dma_wait3A_19 = arith.constant 0 : i32
    %dma_wait3A_20 = arith.constant 0 : i32
    %dma_wait3A_21 = tpu.memref_slice %arg4[%dma_wait3A_19, %dma_wait3A_20] : memref<6144x1024xf32, #tpu.memory_space<hbm>> -> memref<6144x1024xf32, #tpu.memory_space<hbm>>
    tpu.wait_indirect_dma semaphore(%arg7 : memref<!tpu.dma_semaphore, #tpu.memory_space<semaphore_mem>>) src(%arg6 : memref<64x1024xf32, #tpu.memory_space<vmem>>) dst(%dma_wait3A_21 : memref<6144x1024xf32, #tpu.memory_space<hbm>>)
    %dma_wait3A_22 = arith.constant 1 : i32
    %dma_wait3A_23 = arith.constant 0 : i32
    %dma_wait3A_24 = tpu.memref_slice %arg5[%dma_wait3A_22, %dma_wait3A_23] : memref<2x64xi32, #tpu.memory_space<vmem>> -> memref<1x64xi32, #tpu.memory_space<vmem>>
    %dma_wait3A_25 = tpu.memref_squeeze %dma_wait3A_24 : memref<1x64xi32, #tpu.memory_space<vmem>> -> memref<64xi32, #tpu.memory_space<vmem>>
    %dma_wait3A_26 = arith.constant 0 : i32
    %dma_wait3A_27 = arith.constant 0 : i32
    %dma_wait3A_28 = tpu.memref_slice %arg4[%dma_wait3A_26, %dma_wait3A_27] : memref<6144x1024xf32, #tpu.memory_space<hbm>> -> memref<6144x1024xf32, #tpu.memory_space<hbm>>
    tpu.wait_indirect_dma semaphore(%arg8 : memref<!tpu.dma_semaphore, #tpu.memory_space<semaphore_mem>>) src(%arg6 : memref<64x1024xf32, #tpu.memory_space<vmem>>) dst(%dma_wait3A_28 : memref<6144x1024xf32, #tpu.memory_space<hbm>>)
    return
  }
}

#map = affine_map<(d0, d1) -> (0, 0, 0, 0)>
#map1 = affine_map<(d0, d1) -> (0, 0)>
module attributes {stable_mosaic.version = 14 : i64} {
  func.func @k(%arg0: i32, %arg1: i32, %arg2: memref<32x2x2x32xi32, #tpu.memory_space<hbm>>, %arg3: memref<6144x1024xf32, #tpu.memory_space<hbm>>, %arg4: memref<2048x1024xf32, #tpu.memory_space<hbm>>, %arg5: memref<2048x1024xf32, #tpu.memory_space<hbm>>, %arg6: memref<2x2x32xi32, #tpu.memory_space<vmem>>, %arg7: memref<2x32x1024xf32, #tpu.memory_space<vmem>>, %arg8: memref<!tpu.dma_semaphore, #tpu.memory_space<semaphore_mem>>, %arg9: memref<!tpu.dma_semaphore, #tpu.memory_space<semaphore_mem>>) attributes {dimension_semantics = [#tpu.dimension_semantics<core_parallel>, #tpu.dimension_semantics<subcore_parallel>], iteration_bounds = array<i64: 2, 16>, scalar_prefetch = 0 : i64, scratch_operands = 4 : i64, tpu.core_type = #tpu.core_type<sc_vector_subcore>, window_params = [{transform_indices = #map}, {transform_indices = #map1}, {transform_indices = #map1}, {transform_indices = #map1}]} {
    %mul3A = arith.constant 16 : i32
    %mul3A_0 = arith.muli %arg0, %mul3A : i32
    %add3A = arith.addi %mul3A_0, %arg1 : i32
    %mul3A_1 = arith.constant 64 : i32
    %mul3A_2 = arith.muli %add3A, %mul3A_1 : i32
    "tpu.region"() ({
      %run_scoped3A_116 = tpu.sem_alloc : memref<!tpu.dma_semaphore, #tpu.memory_space<semaphore_mem>>
      %dma_start3A_117 = arith.constant 0 : i32
      %dma_start3A_118 = arith.constant 0 : i32
      %dma_start3A_119 = arith.constant 0 : i32
      %dma_start3A_120 = tpu.memref_slice %arg2[%add3A, %dma_start3A_117, %dma_start3A_118, %dma_start3A_119] : memref<32x2x2x32xi32, #tpu.memory_space<hbm>> -> memref<1x2x2x32xi32, #tpu.memory_space<hbm>>
      %dma_start3A_121 = tpu.memref_squeeze %dma_start3A_120 : memref<1x2x2x32xi32, #tpu.memory_space<hbm>> -> memref<2x2x32xi32, #tpu.memory_space<hbm>>
      %dma_start3A_122 = arith.constant 0 : i32
      %dma_start3A_123 = arith.constant 0 : i32
      %dma_start3A_124 = arith.constant 0 : i32
      %dma_start3A_125 = tpu.memref_slice %arg2[%add3A, %dma_start3A_122, %dma_start3A_123, %dma_start3A_124] : memref<32x2x2x32xi32, #tpu.memory_space<hbm>> -> memref<1x2x2x32xi32, #tpu.memory_space<hbm>>
      %dma_start3A_126 = tpu.memref_squeeze %dma_start3A_125 : memref<1x2x2x32xi32, #tpu.memory_space<hbm>> -> memref<2x2x32xi32, #tpu.memory_space<hbm>>
      tpu.enqueue_dma source(%dma_start3A_126 : memref<2x2x32xi32, #tpu.memory_space<hbm>>) target(%arg6 : memref<2x2x32xi32, #tpu.memory_space<vmem>>) target_semaphore(%run_scoped3A_116 : memref<!tpu.dma_semaphore, #tpu.memory_space<semaphore_mem>>)
      %dma_wait3A_127 = arith.constant 0 : i32
      %dma_wait3A_128 = arith.constant 0 : i32
      %dma_wait3A_129 = arith.constant 0 : i32
      %dma_wait3A_130 = tpu.memref_slice %arg2[%add3A, %dma_wait3A_127, %dma_wait3A_128, %dma_wait3A_129] : memref<32x2x2x32xi32, #tpu.memory_space<hbm>> -> memref<1x2x2x32xi32, #tpu.memory_space<hbm>>
      %dma_wait3A_131 = tpu.memref_squeeze %dma_wait3A_130 : memref<1x2x2x32xi32, #tpu.memory_space<hbm>> -> memref<2x2x32xi32, #tpu.memory_space<hbm>>
      %dma_wait3A_132 = arith.constant 0 : i32
      %dma_wait3A_133 = arith.constant 0 : i32
      %dma_wait3A_134 = arith.constant 0 : i32
      %dma_wait3A_135 = tpu.memref_slice %arg2[%add3A, %dma_wait3A_132, %dma_wait3A_133, %dma_wait3A_134] : memref<32x2x2x32xi32, #tpu.memory_space<hbm>> -> memref<1x2x2x32xi32, #tpu.memory_space<hbm>>
      %dma_wait3A_136 = tpu.memref_squeeze %dma_wait3A_135 : memref<1x2x2x32xi32, #tpu.memory_space<hbm>> -> memref<2x2x32xi32, #tpu.memory_space<hbm>>
      tpu.wait_dma2 semaphore(%run_scoped3A_116 : memref<!tpu.dma_semaphore, #tpu.memory_space<semaphore_mem>>) src(%dma_wait3A_136 : memref<2x2x32xi32, #tpu.memory_space<hbm>>) dst(%arg6 : memref<2x2x32xi32, #tpu.memory_space<vmem>>)
      tpu.yield
    }) : () -> ()
    %dma_start3A = arith.constant 0 : i32
    %dma_start3A_3 = arith.constant 0 : i32
    %dma_start3A_4 = arith.constant 0 : i32
    %dma_start3A_5 = arith.constant 0 : i32
    %dma_start3A_6 = arith.constant 0 : i32
    %dma_start3A_7 = tpu.memref_slice %arg7[%dma_start3A_4, %dma_start3A_5, %dma_start3A_6] : memref<2x32x1024xf32, #tpu.memory_space<vmem>> -> memref<1x32x1024xf32, #tpu.memory_space<vmem>>
    %dma_start3A_8 = tpu.memref_squeeze %dma_start3A_7 : memref<1x32x1024xf32, #tpu.memory_space<vmem>> -> memref<32x1024xf32, #tpu.memory_space<vmem>>
    %dma_start3A_9 = arith.constant 0 : i32
    %dma_start3A_10 = tpu.memref_slice %arg6[%dma_start3A, %dma_start3A_3, %dma_start3A_9] : memref<2x2x32xi32, #tpu.memory_space<vmem>> -> memref<1x1x32xi32, #tpu.memory_space<vmem>>
    %dma_start3A_11 = tpu.memref_squeeze %dma_start3A_10 : memref<1x1x32xi32, #tpu.memory_space<vmem>> -> memref<32xi32, #tpu.memory_space<vmem>>
    %dma_start3A_12 = arith.constant 0 : i32
    %dma_start3A_13 = arith.constant 0 : i32
    %dma_start3A_14 = tpu.memref_slice %arg3[%dma_start3A_12, %dma_start3A_13] : memref<6144x1024xf32, #tpu.memory_space<hbm>> -> memref<6144x1024xf32, #tpu.memory_space<hbm>>
    tpu.enqueue_indirect_dma source(%dma_start3A_14 : memref<6144x1024xf32, #tpu.memory_space<hbm>>) target(%dma_start3A_8 : memref<32x1024xf32, #tpu.memory_space<vmem>>) offsets(%dma_start3A_11 : memref<32xi32, #tpu.memory_space<vmem>>) semaphore(%arg8 : memref<!tpu.dma_semaphore, #tpu.memory_space<semaphore_mem>>)
    %dma_wait3A = arith.constant 0 : i32
    %dma_wait3A_15 = arith.constant 0 : i32
    %dma_wait3A_16 = arith.constant 0 : i32
    %dma_wait3A_17 = arith.constant 0 : i32
    %dma_wait3A_18 = arith.constant 0 : i32
    %dma_wait3A_19 = tpu.memref_slice %arg7[%dma_wait3A_16, %dma_wait3A_17, %dma_wait3A_18] : memref<2x32x1024xf32, #tpu.memory_space<vmem>> -> memref<1x32x1024xf32, #tpu.memory_space<vmem>>
    %dma_wait3A_20 = tpu.memref_squeeze %dma_wait3A_19 : memref<1x32x1024xf32, #tpu.memory_space<vmem>> -> memref<32x1024xf32, #tpu.memory_space<vmem>>
    %dma_wait3A_21 = arith.constant 0 : i32
    %dma_wait3A_22 = tpu.memref_slice %arg6[%dma_wait3A, %dma_wait3A_15, %dma_wait3A_21] : memref<2x2x32xi32, #tpu.memory_space<vmem>> -> memref<1x1x32xi32, #tpu.memory_space<vmem>>
    %dma_wait3A_23 = tpu.memref_squeeze %dma_wait3A_22 : memref<1x1x32xi32, #tpu.memory_space<vmem>> -> memref<32xi32, #tpu.memory_space<vmem>>
    %dma_wait3A_24 = arith.constant 0 : i32
    %dma_wait3A_25 = arith.constant 0 : i32
    %dma_wait3A_26 = tpu.memref_slice %arg3[%dma_wait3A_24, %dma_wait3A_25] : memref<6144x1024xf32, #tpu.memory_space<hbm>> -> memref<6144x1024xf32, #tpu.memory_space<hbm>>
    tpu.wait_indirect_dma semaphore(%arg8 : memref<!tpu.dma_semaphore, #tpu.memory_space<semaphore_mem>>) src(%dma_wait3A_26 : memref<6144x1024xf32, #tpu.memory_space<hbm>>) dst(%dma_wait3A_20 : memref<32x1024xf32, #tpu.memory_space<vmem>>)
    %dma_start3A_27 = arith.constant 0 : i32
    %dma_start3A_28 = arith.constant 1 : i32
    %dma_start3A_29 = arith.constant 1 : i32
    %dma_start3A_30 = arith.constant 0 : i32
    %dma_start3A_31 = arith.constant 0 : i32
    %dma_start3A_32 = tpu.memref_slice %arg7[%dma_start3A_29, %dma_start3A_30, %dma_start3A_31] : memref<2x32x1024xf32, #tpu.memory_space<vmem>> -> memref<1x32x1024xf32, #tpu.memory_space<vmem>>
    %dma_start3A_33 = tpu.memref_squeeze %dma_start3A_32 : memref<1x32x1024xf32, #tpu.memory_space<vmem>> -> memref<32x1024xf32, #tpu.memory_space<vmem>>
    %dma_start3A_34 = arith.constant 0 : i32
    %dma_start3A_35 = tpu.memref_slice %arg6[%dma_start3A_27, %dma_start3A_28, %dma_start3A_34] : memref<2x2x32xi32, #tpu.memory_space<vmem>> -> memref<1x1x32xi32, #tpu.memory_space<vmem>>
    %dma_start3A_36 = tpu.memref_squeeze %dma_start3A_35 : memref<1x1x32xi32, #tpu.memory_space<vmem>> -> memref<32xi32, #tpu.memory_space<vmem>>
    %dma_start3A_37 = arith.constant 0 : i32
    %dma_start3A_38 = arith.constant 0 : i32
    %dma_start3A_39 = tpu.memref_slice %arg3[%dma_start3A_37, %dma_start3A_38] : memref<6144x1024xf32, #tpu.memory_space<hbm>> -> memref<6144x1024xf32, #tpu.memory_space<hbm>>
    tpu.enqueue_indirect_dma source(%dma_start3A_39 : memref<6144x1024xf32, #tpu.memory_space<hbm>>) target(%dma_start3A_33 : memref<32x1024xf32, #tpu.memory_space<vmem>>) offsets(%dma_start3A_36 : memref<32xi32, #tpu.memory_space<vmem>>) semaphore(%arg9 : memref<!tpu.dma_semaphore, #tpu.memory_space<semaphore_mem>>)
    %add3A_40 = arith.constant 0 : i32
    %add3A_41 = arith.addi %mul3A_2, %add3A_40 : i32
    %run_scoped3A = arith.constant 0 : i32
    "tpu.region"() ({
      %run_scoped3A_116 = tpu.sem_alloc : memref<!tpu.dma_semaphore, #tpu.memory_space<semaphore_mem>>
      %dma_start3A_117 = arith.constant 0 : i32
      %dma_start3A_118 = arith.constant 0 : i32
      %dma_start3A_119 = tpu.memref_slice %arg7[%run_scoped3A, %dma_start3A_117, %dma_start3A_118] : memref<2x32x1024xf32, #tpu.memory_space<vmem>> -> memref<1x32x1024xf32, #tpu.memory_space<vmem>>
      %dma_start3A_120 = tpu.memref_squeeze %dma_start3A_119 : memref<1x32x1024xf32, #tpu.memory_space<vmem>> -> memref<32x1024xf32, #tpu.memory_space<vmem>>
      %dma_start3A_121 = arith.constant 0 : i32
      %dma_start3A_122 = tpu.memref_slice %arg4[%add3A_41, %dma_start3A_121] : memref<2048x1024xf32, #tpu.memory_space<hbm>> -> memref<32x1024xf32, #tpu.memory_space<hbm>>
      %dma_start3A_123 = arith.constant 0 : i32
      %dma_start3A_124 = tpu.memref_slice %arg4[%add3A_41, %dma_start3A_123] : memref<2048x1024xf32, #tpu.memory_space<hbm>> -> memref<32x1024xf32, #tpu.memory_space<hbm>>
      %dma_start3A_125 = arith.constant 0 : i32
      %dma_start3A_126 = arith.constant 0 : i32
      %dma_start3A_127 = tpu.memref_slice %arg7[%run_scoped3A, %dma_start3A_125, %dma_start3A_126] : memref<2x32x1024xf32, #tpu.memory_space<vmem>> -> memref<1x32x1024xf32, #tpu.memory_space<vmem>>
      %dma_start3A_128 = tpu.memref_squeeze %dma_start3A_127 : memref<1x32x1024xf32, #tpu.memory_space<vmem>> -> memref<32x1024xf32, #tpu.memory_space<vmem>>
      tpu.enqueue_dma source(%dma_start3A_128 : memref<32x1024xf32, #tpu.memory_space<vmem>>) target(%dma_start3A_124 : memref<32x1024xf32, #tpu.memory_space<hbm>>) target_semaphore(%run_scoped3A_116 : memref<!tpu.dma_semaphore, #tpu.memory_space<semaphore_mem>>)
      %dma_wait3A_129 = arith.constant 0 : i32
      %dma_wait3A_130 = arith.constant 0 : i32
      %dma_wait3A_131 = tpu.memref_slice %arg7[%run_scoped3A, %dma_wait3A_129, %dma_wait3A_130] : memref<2x32x1024xf32, #tpu.memory_space<vmem>> -> memref<1x32x1024xf32, #tpu.memory_space<vmem>>
      %dma_wait3A_132 = tpu.memref_squeeze %dma_wait3A_131 : memref<1x32x1024xf32, #tpu.memory_space<vmem>> -> memref<32x1024xf32, #tpu.memory_space<vmem>>
      %dma_wait3A_133 = arith.constant 0 : i32
      %dma_wait3A_134 = tpu.memref_slice %arg4[%add3A_41, %dma_wait3A_133] : memref<2048x1024xf32, #tpu.memory_space<hbm>> -> memref<32x1024xf32, #tpu.memory_space<hbm>>
      %dma_wait3A_135 = arith.constant 0 : i32
      %dma_wait3A_136 = tpu.memref_slice %arg4[%add3A_41, %dma_wait3A_135] : memref<2048x1024xf32, #tpu.memory_space<hbm>> -> memref<32x1024xf32, #tpu.memory_space<hbm>>
      %dma_wait3A_137 = arith.constant 0 : i32
      %dma_wait3A_138 = arith.constant 0 : i32
      %dma_wait3A_139 = tpu.memref_slice %arg7[%run_scoped3A, %dma_wait3A_137, %dma_wait3A_138] : memref<2x32x1024xf32, #tpu.memory_space<vmem>> -> memref<1x32x1024xf32, #tpu.memory_space<vmem>>
      %dma_wait3A_140 = tpu.memref_squeeze %dma_wait3A_139 : memref<1x32x1024xf32, #tpu.memory_space<vmem>> -> memref<32x1024xf32, #tpu.memory_space<vmem>>
      tpu.wait_dma2 semaphore(%run_scoped3A_116 : memref<!tpu.dma_semaphore, #tpu.memory_space<semaphore_mem>>) src(%dma_wait3A_140 : memref<32x1024xf32, #tpu.memory_space<vmem>>) dst(%dma_wait3A_136 : memref<32x1024xf32, #tpu.memory_space<hbm>>)
      tpu.yield
    }) : () -> ()
    %dma_wait3A_42 = arith.constant 0 : i32
    %dma_wait3A_43 = arith.constant 1 : i32
    %dma_wait3A_44 = arith.constant 1 : i32
    %dma_wait3A_45 = arith.constant 0 : i32
    %dma_wait3A_46 = arith.constant 0 : i32
    %dma_wait3A_47 = tpu.memref_slice %arg7[%dma_wait3A_44, %dma_wait3A_45, %dma_wait3A_46] : memref<2x32x1024xf32, #tpu.memory_space<vmem>> -> memref<1x32x1024xf32, #tpu.memory_space<vmem>>
    %dma_wait3A_48 = tpu.memref_squeeze %dma_wait3A_47 : memref<1x32x1024xf32, #tpu.memory_space<vmem>> -> memref<32x1024xf32, #tpu.memory_space<vmem>>
    %dma_wait3A_49 = arith.constant 0 : i32
    %dma_wait3A_50 = tpu.memref_slice %arg6[%dma_wait3A_42, %dma_wait3A_43, %dma_wait3A_49] : memref<2x2x32xi32, #tpu.memory_space<vmem>> -> memref<1x1x32xi32, #tpu.memory_space<vmem>>
    %dma_wait3A_51 = tpu.memref_squeeze %dma_wait3A_50 : memref<1x1x32xi32, #tpu.memory_space<vmem>> -> memref<32xi32, #tpu.memory_space<vmem>>
    %dma_wait3A_52 = arith.constant 0 : i32
    %dma_wait3A_53 = arith.constant 0 : i32
    %dma_wait3A_54 = tpu.memref_slice %arg3[%dma_wait3A_52, %dma_wait3A_53] : memref<6144x1024xf32, #tpu.memory_space<hbm>> -> memref<6144x1024xf32, #tpu.memory_space<hbm>>
    tpu.wait_indirect_dma semaphore(%arg9 : memref<!tpu.dma_semaphore, #tpu.memory_space<semaphore_mem>>) src(%dma_wait3A_54 : memref<6144x1024xf32, #tpu.memory_space<hbm>>) dst(%dma_wait3A_48 : memref<32x1024xf32, #tpu.memory_space<vmem>>)
    %dma_start3A_55 = arith.constant 1 : i32
    %dma_start3A_56 = arith.constant 0 : i32
    %dma_start3A_57 = arith.constant 0 : i32
    %dma_start3A_58 = arith.constant 0 : i32
    %dma_start3A_59 = arith.constant 0 : i32
    %dma_start3A_60 = tpu.memref_slice %arg7[%dma_start3A_57, %dma_start3A_58, %dma_start3A_59] : memref<2x32x1024xf32, #tpu.memory_space<vmem>> -> memref<1x32x1024xf32, #tpu.memory_space<vmem>>
    %dma_start3A_61 = tpu.memref_squeeze %dma_start3A_60 : memref<1x32x1024xf32, #tpu.memory_space<vmem>> -> memref<32x1024xf32, #tpu.memory_space<vmem>>
    %dma_start3A_62 = arith.constant 0 : i32
    %dma_start3A_63 = tpu.memref_slice %arg6[%dma_start3A_55, %dma_start3A_56, %dma_start3A_62] : memref<2x2x32xi32, #tpu.memory_space<vmem>> -> memref<1x1x32xi32, #tpu.memory_space<vmem>>
    %dma_start3A_64 = tpu.memref_squeeze %dma_start3A_63 : memref<1x1x32xi32, #tpu.memory_space<vmem>> -> memref<32xi32, #tpu.memory_space<vmem>>
    %dma_start3A_65 = arith.constant 0 : i32
    %dma_start3A_66 = arith.constant 0 : i32
    %dma_start3A_67 = tpu.memref_slice %arg3[%dma_start3A_65, %dma_start3A_66] : memref<6144x1024xf32, #tpu.memory_space<hbm>> -> memref<6144x1024xf32, #tpu.memory_space<hbm>>
    tpu.enqueue_indirect_dma source(%dma_start3A_67 : memref<6144x1024xf32, #tpu.memory_space<hbm>>) target(%dma_start3A_61 : memref<32x1024xf32, #tpu.memory_space<vmem>>) offsets(%dma_start3A_64 : memref<32xi32, #tpu.memory_space<vmem>>) semaphore(%arg8 : memref<!tpu.dma_semaphore, #tpu.memory_space<semaphore_mem>>)
    %add3A_68 = arith.constant 32 : i32
    %add3A_69 = arith.addi %mul3A_2, %add3A_68 : i32
    %run_scoped3A_70 = arith.constant 1 : i32
    "tpu.region"() ({
      %run_scoped3A_116 = tpu.sem_alloc : memref<!tpu.dma_semaphore, #tpu.memory_space<semaphore_mem>>
      %dma_start3A_117 = arith.constant 0 : i32
      %dma_start3A_118 = arith.constant 0 : i32
      %dma_start3A_119 = tpu.memref_slice %arg7[%run_scoped3A_70, %dma_start3A_117, %dma_start3A_118] : memref<2x32x1024xf32, #tpu.memory_space<vmem>> -> memref<1x32x1024xf32, #tpu.memory_space<vmem>>
      %dma_start3A_120 = tpu.memref_squeeze %dma_start3A_119 : memref<1x32x1024xf32, #tpu.memory_space<vmem>> -> memref<32x1024xf32, #tpu.memory_space<vmem>>
      %dma_start3A_121 = arith.constant 0 : i32
      %dma_start3A_122 = tpu.memref_slice %arg4[%add3A_69, %dma_start3A_121] : memref<2048x1024xf32, #tpu.memory_space<hbm>> -> memref<32x1024xf32, #tpu.memory_space<hbm>>
      %dma_start3A_123 = arith.constant 0 : i32
      %dma_start3A_124 = tpu.memref_slice %arg4[%add3A_69, %dma_start3A_123] : memref<2048x1024xf32, #tpu.memory_space<hbm>> -> memref<32x1024xf32, #tpu.memory_space<hbm>>
      %dma_start3A_125 = arith.constant 0 : i32
      %dma_start3A_126 = arith.constant 0 : i32
      %dma_start3A_127 = tpu.memref_slice %arg7[%run_scoped3A_70, %dma_start3A_125, %dma_start3A_126] : memref<2x32x1024xf32, #tpu.memory_space<vmem>> -> memref<1x32x1024xf32, #tpu.memory_space<vmem>>
      %dma_start3A_128 = tpu.memref_squeeze %dma_start3A_127 : memref<1x32x1024xf32, #tpu.memory_space<vmem>> -> memref<32x1024xf32, #tpu.memory_space<vmem>>
      tpu.enqueue_dma source(%dma_start3A_128 : memref<32x1024xf32, #tpu.memory_space<vmem>>) target(%dma_start3A_124 : memref<32x1024xf32, #tpu.memory_space<hbm>>) target_semaphore(%run_scoped3A_116 : memref<!tpu.dma_semaphore, #tpu.memory_space<semaphore_mem>>)
      %dma_wait3A_129 = arith.constant 0 : i32
      %dma_wait3A_130 = arith.constant 0 : i32
      %dma_wait3A_131 = tpu.memref_slice %arg7[%run_scoped3A_70, %dma_wait3A_129, %dma_wait3A_130] : memref<2x32x1024xf32, #tpu.memory_space<vmem>> -> memref<1x32x1024xf32, #tpu.memory_space<vmem>>
      %dma_wait3A_132 = tpu.memref_squeeze %dma_wait3A_131 : memref<1x32x1024xf32, #tpu.memory_space<vmem>> -> memref<32x1024xf32, #tpu.memory_space<vmem>>
      %dma_wait3A_133 = arith.constant 0 : i32
      %dma_wait3A_134 = tpu.memref_slice %arg4[%add3A_69, %dma_wait3A_133] : memref<2048x1024xf32, #tpu.memory_space<hbm>> -> memref<32x1024xf32, #tpu.memory_space<hbm>>
      %dma_wait3A_135 = arith.constant 0 : i32
      %dma_wait3A_136 = tpu.memref_slice %arg4[%add3A_69, %dma_wait3A_135] : memref<2048x1024xf32, #tpu.memory_space<hbm>> -> memref<32x1024xf32, #tpu.memory_space<hbm>>
      %dma_wait3A_137 = arith.constant 0 : i32
      %dma_wait3A_138 = arith.constant 0 : i32
      %dma_wait3A_139 = tpu.memref_slice %arg7[%run_scoped3A_70, %dma_wait3A_137, %dma_wait3A_138] : memref<2x32x1024xf32, #tpu.memory_space<vmem>> -> memref<1x32x1024xf32, #tpu.memory_space<vmem>>
      %dma_wait3A_140 = tpu.memref_squeeze %dma_wait3A_139 : memref<1x32x1024xf32, #tpu.memory_space<vmem>> -> memref<32x1024xf32, #tpu.memory_space<vmem>>
      tpu.wait_dma2 semaphore(%run_scoped3A_116 : memref<!tpu.dma_semaphore, #tpu.memory_space<semaphore_mem>>) src(%dma_wait3A_140 : memref<32x1024xf32, #tpu.memory_space<vmem>>) dst(%dma_wait3A_136 : memref<32x1024xf32, #tpu.memory_space<hbm>>)
      tpu.yield
    }) : () -> ()
    %dma_wait3A_71 = arith.constant 1 : i32
    %dma_wait3A_72 = arith.constant 0 : i32
    %dma_wait3A_73 = arith.constant 0 : i32
    %dma_wait3A_74 = arith.constant 0 : i32
    %dma_wait3A_75 = arith.constant 0 : i32
    %dma_wait3A_76 = tpu.memref_slice %arg7[%dma_wait3A_73, %dma_wait3A_74, %dma_wait3A_75] : memref<2x32x1024xf32, #tpu.memory_space<vmem>> -> memref<1x32x1024xf32, #tpu.memory_space<vmem>>
    %dma_wait3A_77 = tpu.memref_squeeze %dma_wait3A_76 : memref<1x32x1024xf32, #tpu.memory_space<vmem>> -> memref<32x1024xf32, #tpu.memory_space<vmem>>
    %dma_wait3A_78 = arith.constant 0 : i32
    %dma_wait3A_79 = tpu.memref_slice %arg6[%dma_wait3A_71, %dma_wait3A_72, %dma_wait3A_78] : memref<2x2x32xi32, #tpu.memory_space<vmem>> -> memref<1x1x32xi32, #tpu.memory_space<vmem>>
    %dma_wait3A_80 = tpu.memref_squeeze %dma_wait3A_79 : memref<1x1x32xi32, #tpu.memory_space<vmem>> -> memref<32xi32, #tpu.memory_space<vmem>>
    %dma_wait3A_81 = arith.constant 0 : i32
    %dma_wait3A_82 = arith.constant 0 : i32
    %dma_wait3A_83 = tpu.memref_slice %arg3[%dma_wait3A_81, %dma_wait3A_82] : memref<6144x1024xf32, #tpu.memory_space<hbm>> -> memref<6144x1024xf32, #tpu.memory_space<hbm>>
    tpu.wait_indirect_dma semaphore(%arg8 : memref<!tpu.dma_semaphore, #tpu.memory_space<semaphore_mem>>) src(%dma_wait3A_83 : memref<6144x1024xf32, #tpu.memory_space<hbm>>) dst(%dma_wait3A_77 : memref<32x1024xf32, #tpu.memory_space<vmem>>)
    %dma_start3A_84 = arith.constant 1 : i32
    %dma_start3A_85 = arith.constant 1 : i32
    %dma_start3A_86 = arith.constant 1 : i32
    %dma_start3A_87 = arith.constant 0 : i32
    %dma_start3A_88 = arith.constant 0 : i32
    %dma_start3A_89 = tpu.memref_slice %arg7[%dma_start3A_86, %dma_start3A_87, %dma_start3A_88] : memref<2x32x1024xf32, #tpu.memory_space<vmem>> -> memref<1x32x1024xf32, #tpu.memory_space<vmem>>
    %dma_start3A_90 = tpu.memref_squeeze %dma_start3A_89 : memref<1x32x1024xf32, #tpu.memory_space<vmem>> -> memref<32x1024xf32, #tpu.memory_space<vmem>>
    %dma_start3A_91 = arith.constant 0 : i32
    %dma_start3A_92 = tpu.memref_slice %arg6[%dma_start3A_84, %dma_start3A_85, %dma_start3A_91] : memref<2x2x32xi32, #tpu.memory_space<vmem>> -> memref<1x1x32xi32, #tpu.memory_space<vmem>>
    %dma_start3A_93 = tpu.memref_squeeze %dma_start3A_92 : memref<1x1x32xi32, #tpu.memory_space<vmem>> -> memref<32xi32, #tpu.memory_space<vmem>>
    %dma_start3A_94 = arith.constant 0 : i32
    %dma_start3A_95 = arith.constant 0 : i32
    %dma_start3A_96 = tpu.memref_slice %arg3[%dma_start3A_94, %dma_start3A_95] : memref<6144x1024xf32, #tpu.memory_space<hbm>> -> memref<6144x1024xf32, #tpu.memory_space<hbm>>
    tpu.enqueue_indirect_dma source(%dma_start3A_96 : memref<6144x1024xf32, #tpu.memory_space<hbm>>) target(%dma_start3A_90 : memref<32x1024xf32, #tpu.memory_space<vmem>>) offsets(%dma_start3A_93 : memref<32xi32, #tpu.memory_space<vmem>>) semaphore(%arg9 : memref<!tpu.dma_semaphore, #tpu.memory_space<semaphore_mem>>)
    %add3A_97 = arith.constant 0 : i32
    %add3A_98 = arith.addi %mul3A_2, %add3A_97 : i32
    %run_scoped3A_99 = arith.constant 0 : i32
    "tpu.region"() ({
      %run_scoped3A_116 = tpu.sem_alloc : memref<!tpu.dma_semaphore, #tpu.memory_space<semaphore_mem>>
      %dma_start3A_117 = arith.constant 0 : i32
      %dma_start3A_118 = arith.constant 0 : i32
      %dma_start3A_119 = tpu.memref_slice %arg7[%run_scoped3A_99, %dma_start3A_117, %dma_start3A_118] : memref<2x32x1024xf32, #tpu.memory_space<vmem>> -> memref<1x32x1024xf32, #tpu.memory_space<vmem>>
      %dma_start3A_120 = tpu.memref_squeeze %dma_start3A_119 : memref<1x32x1024xf32, #tpu.memory_space<vmem>> -> memref<32x1024xf32, #tpu.memory_space<vmem>>
      %dma_start3A_121 = arith.constant 0 : i32
      %dma_start3A_122 = tpu.memref_slice %arg5[%add3A_98, %dma_start3A_121] : memref<2048x1024xf32, #tpu.memory_space<hbm>> -> memref<32x1024xf32, #tpu.memory_space<hbm>>
      %dma_start3A_123 = arith.constant 0 : i32
      %dma_start3A_124 = tpu.memref_slice %arg5[%add3A_98, %dma_start3A_123] : memref<2048x1024xf32, #tpu.memory_space<hbm>> -> memref<32x1024xf32, #tpu.memory_space<hbm>>
      %dma_start3A_125 = arith.constant 0 : i32
      %dma_start3A_126 = arith.constant 0 : i32
      %dma_start3A_127 = tpu.memref_slice %arg7[%run_scoped3A_99, %dma_start3A_125, %dma_start3A_126] : memref<2x32x1024xf32, #tpu.memory_space<vmem>> -> memref<1x32x1024xf32, #tpu.memory_space<vmem>>
      %dma_start3A_128 = tpu.memref_squeeze %dma_start3A_127 : memref<1x32x1024xf32, #tpu.memory_space<vmem>> -> memref<32x1024xf32, #tpu.memory_space<vmem>>
      tpu.enqueue_dma source(%dma_start3A_128 : memref<32x1024xf32, #tpu.memory_space<vmem>>) target(%dma_start3A_124 : memref<32x1024xf32, #tpu.memory_space<hbm>>) target_semaphore(%run_scoped3A_116 : memref<!tpu.dma_semaphore, #tpu.memory_space<semaphore_mem>>)
      %dma_wait3A_129 = arith.constant 0 : i32
      %dma_wait3A_130 = arith.constant 0 : i32
      %dma_wait3A_131 = tpu.memref_slice %arg7[%run_scoped3A_99, %dma_wait3A_129, %dma_wait3A_130] : memref<2x32x1024xf32, #tpu.memory_space<vmem>> -> memref<1x32x1024xf32, #tpu.memory_space<vmem>>
      %dma_wait3A_132 = tpu.memref_squeeze %dma_wait3A_131 : memref<1x32x1024xf32, #tpu.memory_space<vmem>> -> memref<32x1024xf32, #tpu.memory_space<vmem>>
      %dma_wait3A_133 = arith.constant 0 : i32
      %dma_wait3A_134 = tpu.memref_slice %arg5[%add3A_98, %dma_wait3A_133] : memref<2048x1024xf32, #tpu.memory_space<hbm>> -> memref<32x1024xf32, #tpu.memory_space<hbm>>
      %dma_wait3A_135 = arith.constant 0 : i32
      %dma_wait3A_136 = tpu.memref_slice %arg5[%add3A_98, %dma_wait3A_135] : memref<2048x1024xf32, #tpu.memory_space<hbm>> -> memref<32x1024xf32, #tpu.memory_space<hbm>>
      %dma_wait3A_137 = arith.constant 0 : i32
      %dma_wait3A_138 = arith.constant 0 : i32
      %dma_wait3A_139 = tpu.memref_slice %arg7[%run_scoped3A_99, %dma_wait3A_137, %dma_wait3A_138] : memref<2x32x1024xf32, #tpu.memory_space<vmem>> -> memref<1x32x1024xf32, #tpu.memory_space<vmem>>
      %dma_wait3A_140 = tpu.memref_squeeze %dma_wait3A_139 : memref<1x32x1024xf32, #tpu.memory_space<vmem>> -> memref<32x1024xf32, #tpu.memory_space<vmem>>
      tpu.wait_dma2 semaphore(%run_scoped3A_116 : memref<!tpu.dma_semaphore, #tpu.memory_space<semaphore_mem>>) src(%dma_wait3A_140 : memref<32x1024xf32, #tpu.memory_space<vmem>>) dst(%dma_wait3A_136 : memref<32x1024xf32, #tpu.memory_space<hbm>>)
      tpu.yield
    }) : () -> ()
    %dma_wait3A_100 = arith.constant 1 : i32
    %dma_wait3A_101 = arith.constant 1 : i32
    %dma_wait3A_102 = arith.constant 1 : i32
    %dma_wait3A_103 = arith.constant 0 : i32
    %dma_wait3A_104 = arith.constant 0 : i32
    %dma_wait3A_105 = tpu.memref_slice %arg7[%dma_wait3A_102, %dma_wait3A_103, %dma_wait3A_104] : memref<2x32x1024xf32, #tpu.memory_space<vmem>> -> memref<1x32x1024xf32, #tpu.memory_space<vmem>>
    %dma_wait3A_106 = tpu.memref_squeeze %dma_wait3A_105 : memref<1x32x1024xf32, #tpu.memory_space<vmem>> -> memref<32x1024xf32, #tpu.memory_space<vmem>>
    %dma_wait3A_107 = arith.constant 0 : i32
    %dma_wait3A_108 = tpu.memref_slice %arg6[%dma_wait3A_100, %dma_wait3A_101, %dma_wait3A_107] : memref<2x2x32xi32, #tpu.memory_space<vmem>> -> memref<1x1x32xi32, #tpu.memory_space<vmem>>
    %dma_wait3A_109 = tpu.memref_squeeze %dma_wait3A_108 : memref<1x1x32xi32, #tpu.memory_space<vmem>> -> memref<32xi32, #tpu.memory_space<vmem>>
    %dma_wait3A_110 = arith.constant 0 : i32
    %dma_wait3A_111 = arith.constant 0 : i32
    %dma_wait3A_112 = tpu.memref_slice %arg3[%dma_wait3A_110, %dma_wait3A_111] : memref<6144x1024xf32, #tpu.memory_space<hbm>> -> memref<6144x1024xf32, #tpu.memory_space<hbm>>
    tpu.wait_indirect_dma semaphore(%arg9 : memref<!tpu.dma_semaphore, #tpu.memory_space<semaphore_mem>>) src(%dma_wait3A_112 : memref<6144x1024xf32, #tpu.memory_space<hbm>>) dst(%dma_wait3A_106 : memref<32x1024xf32, #tpu.memory_space<vmem>>)
    %add3A_113 = arith.constant 32 : i32
    %add3A_114 = arith.addi %mul3A_2, %add3A_113 : i32
    %run_scoped3A_115 = arith.constant 1 : i32
    "tpu.region"() ({
      %run_scoped3A_116 = tpu.sem_alloc : memref<!tpu.dma_semaphore, #tpu.memory_space<semaphore_mem>>
      %dma_start3A_117 = arith.constant 0 : i32
      %dma_start3A_118 = arith.constant 0 : i32
      %dma_start3A_119 = tpu.memref_slice %arg7[%run_scoped3A_115, %dma_start3A_117, %dma_start3A_118] : memref<2x32x1024xf32, #tpu.memory_space<vmem>> -> memref<1x32x1024xf32, #tpu.memory_space<vmem>>
      %dma_start3A_120 = tpu.memref_squeeze %dma_start3A_119 : memref<1x32x1024xf32, #tpu.memory_space<vmem>> -> memref<32x1024xf32, #tpu.memory_space<vmem>>
      %dma_start3A_121 = arith.constant 0 : i32
      %dma_start3A_122 = tpu.memref_slice %arg5[%add3A_114, %dma_start3A_121] : memref<2048x1024xf32, #tpu.memory_space<hbm>> -> memref<32x1024xf32, #tpu.memory_space<hbm>>
      %dma_start3A_123 = arith.constant 0 : i32
      %dma_start3A_124 = tpu.memref_slice %arg5[%add3A_114, %dma_start3A_123] : memref<2048x1024xf32, #tpu.memory_space<hbm>> -> memref<32x1024xf32, #tpu.memory_space<hbm>>
      %dma_start3A_125 = arith.constant 0 : i32
      %dma_start3A_126 = arith.constant 0 : i32
      %dma_start3A_127 = tpu.memref_slice %arg7[%run_scoped3A_115, %dma_start3A_125, %dma_start3A_126] : memref<2x32x1024xf32, #tpu.memory_space<vmem>> -> memref<1x32x1024xf32, #tpu.memory_space<vmem>>
      %dma_start3A_128 = tpu.memref_squeeze %dma_start3A_127 : memref<1x32x1024xf32, #tpu.memory_space<vmem>> -> memref<32x1024xf32, #tpu.memory_space<vmem>>
      tpu.enqueue_dma source(%dma_start3A_128 : memref<32x1024xf32, #tpu.memory_space<vmem>>) target(%dma_start3A_124 : memref<32x1024xf32, #tpu.memory_space<hbm>>) target_semaphore(%run_scoped3A_116 : memref<!tpu.dma_semaphore, #tpu.memory_space<semaphore_mem>>)
      %dma_wait3A_129 = arith.constant 0 : i32
      %dma_wait3A_130 = arith.constant 0 : i32
      %dma_wait3A_131 = tpu.memref_slice %arg7[%run_scoped3A_115, %dma_wait3A_129, %dma_wait3A_130] : memref<2x32x1024xf32, #tpu.memory_space<vmem>> -> memref<1x32x1024xf32, #tpu.memory_space<vmem>>
      %dma_wait3A_132 = tpu.memref_squeeze %dma_wait3A_131 : memref<1x32x1024xf32, #tpu.memory_space<vmem>> -> memref<32x1024xf32, #tpu.memory_space<vmem>>
      %dma_wait3A_133 = arith.constant 0 : i32
      %dma_wait3A_134 = tpu.memref_slice %arg5[%add3A_114, %dma_wait3A_133] : memref<2048x1024xf32, #tpu.memory_space<hbm>> -> memref<32x1024xf32, #tpu.memory_space<hbm>>
      %dma_wait3A_135 = arith.constant 0 : i32
      %dma_wait3A_136 = tpu.memref_slice %arg5[%add3A_114, %dma_wait3A_135] : memref<2048x1024xf32, #tpu.memory_space<hbm>> -> memref<32x1024xf32, #tpu.memory_space<hbm>>
      %dma_wait3A_137 = arith.constant 0 : i32
      %dma_wait3A_138 = arith.constant 0 : i32
      %dma_wait3A_139 = tpu.memref_slice %arg7[%run_scoped3A_115, %dma_wait3A_137, %dma_wait3A_138] : memref<2x32x1024xf32, #tpu.memory_space<vmem>> -> memref<1x32x1024xf32, #tpu.memory_space<vmem>>
      %dma_wait3A_140 = tpu.memref_squeeze %dma_wait3A_139 : memref<1x32x1024xf32, #tpu.memory_space<vmem>> -> memref<32x1024xf32, #tpu.memory_space<vmem>>
      tpu.wait_dma2 semaphore(%run_scoped3A_116 : memref<!tpu.dma_semaphore, #tpu.memory_space<semaphore_mem>>) src(%dma_wait3A_140 : memref<32x1024xf32, #tpu.memory_space<vmem>>) dst(%dma_wait3A_136 : memref<32x1024xf32, #tpu.memory_space<hbm>>)
      tpu.yield
    }) : () -> ()
    return
  }
}

module attributes {stable_mosaic.version = 14 : i64} {
  func.func @_gating_body(%arg0: memref<2048x1024xf32, #tpu.memory_space<vmem>>, %arg1: memref<1024x128xf32, #tpu.memory_space<vmem>>, %arg2: memref<2048x1xf32, #tpu.memory_space<vmem>>, %arg3: memref<2048x1xf32, #tpu.memory_space<vmem>>, %arg4: memref<4096x1xi32, #tpu.memory_space<vmem>>, %arg5: memref<128x1xi32, #tpu.memory_space<vmem>>, %arg6: memref<1x1xf32, #tpu.memory_space<smem>>, %arg7: memref<4096x128xf32, #tpu.memory_space<vmem>>) attributes {dimension_semantics = [], scalar_prefetch = 0 : i64, scratch_operands = 1 : i64, tpu.core_type = #tpu.core_type<tc>} {
    %get3A = arith.constant 0 : index
    %get3A_0 = arith.constant 0 : index
    %get3A_1 = vector.load %arg0[%get3A, %get3A_0] : memref<2048x1024xf32, #tpu.memory_space<vmem>>, vector<2048x1024xf32>
    %get3A_2 = arith.constant 0 : index
    %get3A_3 = arith.constant 0 : index
    %get3A_4 = vector.load %arg1[%get3A_2, %get3A_3] : memref<1024x128xf32, #tpu.memory_space<vmem>>, vector<1024x128xf32>
    %dot_general3A = arith.constant dense<0.000000e+00> : vector<2048x128xf32>
    %dot_general3A_5 = tpu.matmul %get3A_1, %get3A_4, %dot_general3A {dimension_numbers = #tpu.dot_dimension_numbers<[1], [0], [0], [1], [0, 0, 1, 1], [], []>, transpose_lhs_hint = false} : vector<2048x1024xf32>, vector<1024x128xf32>, vector<2048x128xf32> -> vector<2048x128xf32>
    %iota3A = tpu.iota {dimensions = array<i32: 1>} : vector<2048x128xi32>
    %lt3A = arith.constant 8 : i32
    %lt3A_6 = vector.broadcast %lt3A : i32 to vector<2048x128xi32>
    %lt3A_7 = arith.cmpi slt, %iota3A, %lt3A_6 : vector<2048x128xi32>
    %jit3A = arith.constant -3.000000e+38 : f32
    %broadcast_in_dim3A = vector.broadcast %jit3A : f32 to vector<2048x128xf32>
    %select_n3A = arith.select %lt3A_7, %dot_general3A_5, %broadcast_in_dim3A : vector<2048x128xi1>, vector<2048x128xf32>
    %reduce_max3A = arith.constant dense<0xFF800000> : vector<2048xf32>
    %reduce_max3A_8 = vector.multi_reduction <maximumf>, %select_n3A, %reduce_max3A [1] : vector<2048x128xf32> to vector<2048xf32>
    %broadcast_in_dim3A_9 = vector.shape_cast %reduce_max3A_8 : vector<2048xf32> to vector<2048x1xf32>
    %eq3A = vector.broadcast %broadcast_in_dim3A_9 : vector<2048x1xf32> to vector<2048x128xf32>
    %eq3A_10 = arith.cmpf oeq, %select_n3A, %eq3A : vector<2048x128xf32>
    %jit3A_11 = arith.constant 128 : i32
    %broadcast_in_dim3A_12 = vector.broadcast %jit3A_11 : i32 to vector<2048x128xi32>
    %select_n3A_13 = arith.select %eq3A_10, %iota3A, %broadcast_in_dim3A_12 : vector<2048x128xi1>, vector<2048x128xi32>
    %reduce_min3A = arith.constant dense<2147483647> : vector<2048xi32>
    %reduce_min3A_14 = vector.multi_reduction <minsi>, %select_n3A_13, %reduce_min3A [1] : vector<2048x128xi32> to vector<2048xi32>
    %broadcast_in_dim3A_15 = vector.shape_cast %reduce_min3A_14 : vector<2048xi32> to vector<2048x1xi32>
    %eq3A_16 = vector.broadcast %broadcast_in_dim3A_15 : vector<2048x1xi32> to vector<2048x128xi32>
    %eq3A_17 = arith.cmpi eq, %iota3A, %eq3A_16 : vector<2048x128xi32>
    %jit3A_18 = arith.constant -3.000000e+38 : f32
    %broadcast_in_dim3A_19 = vector.broadcast %jit3A_18 : f32 to vector<2048x128xf32>
    %select_n3A_20 = arith.select %eq3A_17, %broadcast_in_dim3A_19, %select_n3A : vector<2048x128xi1>, vector<2048x128xf32>
    %reduce_max3A_21 = arith.constant dense<0xFF800000> : vector<2048xf32>
    %reduce_max3A_22 = vector.multi_reduction <maximumf>, %select_n3A_20, %reduce_max3A_21 [1] : vector<2048x128xf32> to vector<2048xf32>
    %broadcast_in_dim3A_23 = vector.shape_cast %reduce_max3A_22 : vector<2048xf32> to vector<2048x1xf32>
    %eq3A_24 = vector.broadcast %broadcast_in_dim3A_23 : vector<2048x1xf32> to vector<2048x128xf32>
    %eq3A_25 = arith.cmpf oeq, %select_n3A_20, %eq3A_24 : vector<2048x128xf32>
    %jit3A_26 = arith.constant 128 : i32
    %broadcast_in_dim3A_27 = vector.broadcast %jit3A_26 : i32 to vector<2048x128xi32>
    %select_n3A_28 = arith.select %eq3A_25, %iota3A, %broadcast_in_dim3A_27 : vector<2048x128xi1>, vector<2048x128xi32>
    %reduce_min3A_29 = arith.constant dense<2147483647> : vector<2048xi32>
    %reduce_min3A_30 = vector.multi_reduction <minsi>, %select_n3A_28, %reduce_min3A_29 [1] : vector<2048x128xi32> to vector<2048xi32>
    %broadcast_in_dim3A_31 = vector.shape_cast %reduce_min3A_30 : vector<2048xi32> to vector<2048x1xi32>
    %sub3A = arith.subf %broadcast_in_dim3A_23, %broadcast_in_dim3A_9 : vector<2048x1xf32>
    %exp3A = math.exp %sub3A : vector<2048x1xf32>
    %add3A = arith.constant 1.000000e+00 : f32
    %add3A_32 = vector.broadcast %add3A : f32 to vector<2048x1xf32>
    %add3A_33 = arith.addf %add3A_32, %exp3A : vector<2048x1xf32>
    %div3A = arith.constant 1.000000e+00 : f32
    %div3A_34 = vector.broadcast %div3A : f32 to vector<2048x1xf32>
    %div3A_35 = arith.divf %div3A_34, %add3A_33 : vector<2048x1xf32>
    %add3A_36 = arith.constant 1.000000e+00 : f32
    %add3A_37 = vector.broadcast %add3A_36 : f32 to vector<2048x1xf32>
    %add3A_38 = arith.addf %add3A_37, %exp3A : vector<2048x1xf32>
    %div3A_39 = arith.divf %exp3A, %add3A_38 : vector<2048x1xf32>
    %swap3A = arith.constant 0 : index
    %swap3A_40 = arith.constant 0 : index
    %swap3A_41 = vector.load %arg2[%swap3A, %swap3A_40] : memref<2048x1xf32, #tpu.memory_space<vmem>>, vector<2048x1xf32>
    tpu.vector_store %arg2[%swap3A, %swap3A_40], %div3A_35 {strides = array<i32>} : memref<2048x1xf32, #tpu.memory_space<vmem>>, vector<2048x1xf32>,
    %swap3A_42 = arith.constant 0 : index
    %swap3A_43 = arith.constant 0 : index
    %swap3A_44 = vector.load %arg3[%swap3A_42, %swap3A_43] : memref<2048x1xf32, #tpu.memory_space<vmem>>, vector<2048x1xf32>
    tpu.vector_store %arg3[%swap3A_42, %swap3A_43], %div3A_39 {strides = array<i32>} : memref<2048x1xf32, #tpu.memory_space<vmem>>, vector<2048x1xf32>,
    %eq3A_45 = vector.broadcast %broadcast_in_dim3A_15 : vector<2048x1xi32> to vector<2048x128xi32>
    %eq3A_46 = arith.cmpi eq, %iota3A, %eq3A_45 : vector<2048x128xi32>
    %jit3A_47 = arith.constant 1.000000e+00 : f32
    %jit3A_48 = arith.constant 0.000000e+00 : f32
    %broadcast_in_dim3A_49 = vector.broadcast %jit3A_47 : f32 to vector<2048x128xf32>
    %broadcast_in_dim3A_50 = vector.broadcast %jit3A_48 : f32 to vector<2048x128xf32>
    %select_n3A_51 = arith.select %eq3A_46, %broadcast_in_dim3A_49, %broadcast_in_dim3A_50 : vector<2048x128xi1>, vector<2048x128xf32>
    %eq3A_52 = vector.broadcast %broadcast_in_dim3A_31 : vector<2048x1xi32> to vector<2048x128xi32>
    %eq3A_53 = arith.cmpi eq, %iota3A, %eq3A_52 : vector<2048x128xi32>
    %jit3A_54 = arith.constant 1.000000e+00 : f32
    %jit3A_55 = arith.constant 0.000000e+00 : f32
    %broadcast_in_dim3A_56 = vector.broadcast %jit3A_54 : f32 to vector<2048x128xf32>
    %broadcast_in_dim3A_57 = vector.broadcast %jit3A_55 : f32 to vector<2048x128xf32>
    %select_n3A_58 = arith.select %eq3A_53, %broadcast_in_dim3A_56, %broadcast_in_dim3A_57 : vector<2048x128xi1>, vector<2048x128xf32>
    %swap3A_59 = arith.constant 0 : index
    %swap3A_60 = arith.constant 0 : index
    %swap3A_61 = vector.load %arg7[%swap3A_59, %swap3A_60] : memref<4096x128xf32, #tpu.memory_space<vmem>>, vector<2048x128xf32>
    tpu.vector_store %arg7[%swap3A_59, %swap3A_60], %select_n3A_51 {strides = array<i32>} : memref<4096x128xf32, #tpu.memory_space<vmem>>, vector<2048x128xf32>,
    %swap3A_62 = arith.constant 2048 : index
    %swap3A_63 = arith.constant 0 : index
    %swap3A_64 = vector.load %arg7[%swap3A_62, %swap3A_63] : memref<4096x128xf32, #tpu.memory_space<vmem>>, vector<2048x128xf32>
    tpu.vector_store %arg7[%swap3A_62, %swap3A_63], %select_n3A_58 {strides = array<i32>} : memref<4096x128xf32, #tpu.memory_space<vmem>>, vector<2048x128xf32>,
    %mul3A = vector.broadcast %div3A_35 : vector<2048x1xf32> to vector<2048x128xf32>
    %mul3A_65 = arith.mulf %select_n3A_51, %mul3A : vector<2048x128xf32>
    %mul3A_66 = vector.broadcast %div3A_39 : vector<2048x1xf32> to vector<2048x128xf32>
    %mul3A_67 = arith.mulf %select_n3A_58, %mul3A_66 : vector<2048x128xf32>
    %add3A_68 = arith.addf %mul3A_65, %mul3A_67 : vector<2048x128xf32>
    %reduce_sum3A = arith.constant dense<0.000000e+00> : vector<128xf32>
    %reduce_sum3A_69 = vector.multi_reduction <add>, %add3A_68, %reduce_sum3A [0] : vector<2048x128xf32> to vector<128xf32>
    %broadcast_in_dim3A_70 = vector.shape_cast %reduce_sum3A_69 : vector<128xf32> to vector<1x128xf32>
    %gt3A = arith.constant 0.000000e+00 : f32
    %gt3A_71 = vector.broadcast %gt3A : f32 to vector<2048x128xf32>
    %gt3A_72 = arith.cmpf ogt, %add3A_68, %gt3A_71 : vector<2048x128xf32>
    %convert_element_type3A = arith.extui %gt3A_72 : vector<2048x128xi1> to vector<2048x128xi32>
    %convert_element_type3A_73 = arith.sitofp %convert_element_type3A : vector<2048x128xi32> to vector<2048x128xf32>
    %reduce_sum3A_74 = arith.constant dense<0.000000e+00> : vector<128xf32>
    %reduce_sum3A_75 = vector.multi_reduction <add>, %convert_element_type3A_73, %reduce_sum3A_74 [0] : vector<2048x128xf32> to vector<128xf32>
    %broadcast_in_dim3A_76 = vector.shape_cast %reduce_sum3A_75 : vector<128xf32> to vector<1x128xf32>
    %slice3A = vector.extract_strided_slice %iota3A {offsets = [0, 0], sizes = [1, 128], strides = [1, 1]} : vector<2048x128xi32> to vector<1x128xi32>
    %lt3A_77 = arith.constant 8 : i32
    %lt3A_78 = vector.broadcast %lt3A_77 : i32 to vector<1x128xi32>
    %lt3A_79 = arith.cmpi slt, %slice3A, %lt3A_78 : vector<1x128xi32>
    %jit3A_80 = arith.constant 0.000000e+00 : f32
    %broadcast_in_dim3A_81 = vector.broadcast %jit3A_80 : f32 to vector<1x128xf32>
    %select_n3A_82 = arith.select %lt3A_79, %broadcast_in_dim3A_70, %broadcast_in_dim3A_81 : vector<1x128xi1>, vector<1x128xf32>
    %reduce_sum3A_83 = vector.shape_cast %select_n3A_82 : vector<1x128xf32> to vector<1x1x128xf32>
    %reduce_sum3A_84 = arith.constant dense<0.000000e+00> : vector<1xf32>
    %reduce_sum3A_85 = vector.multi_reduction <add>, %reduce_sum3A_83, %reduce_sum3A_84 [1, 2] : vector<1x1x128xf32> to vector<1xf32>
    %reduce_sum3A_86 = vector.shape_cast %reduce_sum3A_85 : vector<1xf32> to vector<1x1x1xf32>
    %reduce_sum3A_87 = vector.extract %reduce_sum3A_86[0, 0, 0] : f32 from vector<1x1x1xf32>
    %div3A_88 = arith.constant 8.000000e+00 : f32
    %div3A_89 = arith.divf %reduce_sum3A_87, %div3A_88 : f32
    %slice3A_90 = vector.extract_strided_slice %iota3A {offsets = [0, 0], sizes = [1, 128], strides = [1, 1]} : vector<2048x128xi32> to vector<1x128xi32>
    %lt3A_91 = arith.constant 8 : i32
    %lt3A_92 = vector.broadcast %lt3A_91 : i32 to vector<1x128xi32>
    %lt3A_93 = arith.cmpi slt, %slice3A_90, %lt3A_92 : vector<1x128xi32>
    %sub3A_94 = vector.broadcast %div3A_89 : f32 to vector<1x128xf32>
    %sub3A_95 = arith.subf %broadcast_in_dim3A_70, %sub3A_94 : vector<1x128xf32>
    %integer_pow3A = arith.mulf %sub3A_95, %sub3A_95 : vector<1x128xf32>
    %jit3A_96 = arith.constant 0.000000e+00 : f32
    %broadcast_in_dim3A_97 = vector.broadcast %jit3A_96 : f32 to vector<1x128xf32>
    %select_n3A_98 = arith.select %lt3A_93, %integer_pow3A, %broadcast_in_dim3A_97 : vector<1x128xi1>, vector<1x128xf32>
    %reduce_sum3A_99 = vector.shape_cast %select_n3A_98 : vector<1x128xf32> to vector<1x1x128xf32>
    %reduce_sum3A_100 = arith.constant dense<0.000000e+00> : vector<1xf32>
    %reduce_sum3A_101 = vector.multi_reduction <add>, %reduce_sum3A_99, %reduce_sum3A_100 [1, 2] : vector<1x1x128xf32> to vector<1xf32>
    %reduce_sum3A_102 = vector.shape_cast %reduce_sum3A_101 : vector<1xf32> to vector<1x1x1xf32>
    %reduce_sum3A_103 = vector.extract %reduce_sum3A_102[0, 0, 0] : f32 from vector<1x1x1xf32>
    %div3A_104 = arith.constant 7.000000e+00 : f32
    %div3A_105 = arith.divf %reduce_sum3A_103, %div3A_104 : f32
    %mul3A_106 = arith.mulf %div3A_89, %div3A_89 : f32
    %add3A_107 = arith.constant 1.000000e-10 : f32
    %add3A_108 = arith.addf %mul3A_106, %add3A_107 : f32
    %div3A_109 = arith.divf %div3A_105, %add3A_108 : f32
    %slice3A_110 = vector.extract_strided_slice %iota3A {offsets = [0, 0], sizes = [1, 128], strides = [1, 1]} : vector<2048x128xi32> to vector<1x128xi32>
    %lt3A_111 = arith.constant 8 : i32
    %lt3A_112 = vector.broadcast %lt3A_111 : i32 to vector<1x128xi32>
    %lt3A_113 = arith.cmpi slt, %slice3A_110, %lt3A_112 : vector<1x128xi32>
    %jit3A_114 = arith.constant 0.000000e+00 : f32
    %broadcast_in_dim3A_115 = vector.broadcast %jit3A_114 : f32 to vector<1x128xf32>
    %select_n3A_116 = arith.select %lt3A_113, %broadcast_in_dim3A_76, %broadcast_in_dim3A_115 : vector<1x128xi1>, vector<1x128xf32>
    %reduce_sum3A_117 = vector.shape_cast %select_n3A_116 : vector<1x128xf32> to vector<1x1x128xf32>
    %reduce_sum3A_118 = arith.constant dense<0.000000e+00> : vector<1xf32>
    %reduce_sum3A_119 = vector.multi_reduction <add>, %reduce_sum3A_117, %reduce_sum3A_118 [1, 2] : vector<1x1x128xf32> to vector<1xf32>
    %reduce_sum3A_120 = vector.shape_cast %reduce_sum3A_119 : vector<1xf32> to vector<1x1x1xf32>
    %reduce_sum3A_121 = vector.extract %reduce_sum3A_120[0, 0, 0] : f32 from vector<1x1x1xf32>
    %div3A_122 = arith.constant 8.000000e+00 : f32
    %div3A_123 = arith.divf %reduce_sum3A_121, %div3A_122 : f32
    %slice3A_124 = vector.extract_strided_slice %iota3A {offsets = [0, 0], sizes = [1, 128], strides = [1, 1]} : vector<2048x128xi32> to vector<1x128xi32>
    %lt3A_125 = arith.constant 8 : i32
    %lt3A_126 = vector.broadcast %lt3A_125 : i32 to vector<1x128xi32>
    %lt3A_127 = arith.cmpi slt, %slice3A_124, %lt3A_126 : vector<1x128xi32>
    %sub3A_128 = vector.broadcast %div3A_123 : f32 to vector<1x128xf32>
    %sub3A_129 = arith.subf %broadcast_in_dim3A_76, %sub3A_128 : vector<1x128xf32>
    %integer_pow3A_130 = arith.mulf %sub3A_129, %sub3A_129 : vector<1x128xf32>
    %jit3A_131 = arith.constant 0.000000e+00 : f32
    %broadcast_in_dim3A_132 = vector.broadcast %jit3A_131 : f32 to vector<1x128xf32>
    %select_n3A_133 = arith.select %lt3A_127, %integer_pow3A_130, %broadcast_in_dim3A_132 : vector<1x128xi1>, vector<1x128xf32>
    %reduce_sum3A_134 = vector.shape_cast %select_n3A_133 : vector<1x128xf32> to vector<1x1x128xf32>
    %reduce_sum3A_135 = arith.constant dense<0.000000e+00> : vector<1xf32>
    %reduce_sum3A_136 = vector.multi_reduction <add>, %reduce_sum3A_134, %reduce_sum3A_135 [1, 2] : vector<1x1x128xf32> to vector<1xf32>
    %reduce_sum3A_137 = vector.shape_cast %reduce_sum3A_136 : vector<1xf32> to vector<1x1x1xf32>
    %reduce_sum3A_138 = vector.extract %reduce_sum3A_137[0, 0, 0] : f32 from vector<1x1x1xf32>
    %div3A_139 = arith.constant 7.000000e+00 : f32
    %div3A_140 = arith.divf %reduce_sum3A_138, %div3A_139 : f32
    %mul3A_141 = arith.mulf %div3A_123, %div3A_123 : f32
    %add3A_142 = arith.constant 1.000000e-10 : f32
    %add3A_143 = arith.addf %mul3A_141, %add3A_142 : f32
    %div3A_144 = arith.divf %div3A_140, %add3A_143 : f32
    %add3A_145 = arith.addf %div3A_109, %div3A_144 : f32
    %swap3A_146 = arith.constant 0 : index
    %swap3A_147 = arith.constant 0 : index
    %swap3A_148 = memref.load %arg6[%swap3A_146, %swap3A_147] : memref<1x1xf32, #tpu.memory_space<smem>>
    memref.store %add3A_145, %arg6[%swap3A_146, %swap3A_147] : memref<1x1xf32, #tpu.memory_space<smem>>
    %reduce_sum3A_149 = arith.constant dense<0.000000e+00> : vector<128xf32>
    %reduce_sum3A_150 = vector.multi_reduction <add>, %select_n3A_51, %reduce_sum3A_149 [0] : vector<2048x128xf32> to vector<128xf32>
    %broadcast_in_dim3A_151 = vector.shape_cast %reduce_sum3A_150 : vector<128xf32> to vector<1x128xf32>
    %reduce_sum3A_152 = arith.constant dense<0.000000e+00> : vector<128xf32>
    %reduce_sum3A_153 = vector.multi_reduction <add>, %select_n3A_58, %reduce_sum3A_152 [0] : vector<2048x128xf32> to vector<128xf32>
    %broadcast_in_dim3A_154 = vector.shape_cast %reduce_sum3A_153 : vector<128xf32> to vector<1x128xf32>
    %add3A_155 = arith.addf %broadcast_in_dim3A_151, %broadcast_in_dim3A_154 : vector<1x128xf32>
    %add3A_156 = arith.constant 2.550000e+02 : f32
    %add3A_157 = vector.broadcast %add3A_156 : f32 to vector<1x128xf32>
    %add3A_158 = arith.addf %add3A_155, %add3A_157 : vector<1x128xf32>
    %div3A_159 = arith.constant 2.560000e+02 : f32
    %div3A_160 = vector.broadcast %div3A_159 : f32 to vector<1x128xf32>
    %div3A_161 = arith.divf %add3A_158, %div3A_160 : vector<1x128xf32>
    %floor3A = math.floor %div3A_161 : vector<1x128xf32>
    %iota3A_162 = tpu.iota {dimensions = array<i32: 0>} : vector<128x128xi32>
    %iota3A_163 = tpu.iota {dimensions = array<i32: 1>} : vector<128x128xi32>
    %lt3A_164 = arith.cmpi slt, %iota3A_162, %iota3A_163 : vector<128x128xi32>
    %jit3A_165 = arith.constant 1.000000e+00 : f32
    %jit3A_166 = arith.constant 0.000000e+00 : f32
    %broadcast_in_dim3A_167 = vector.broadcast %jit3A_165 : f32 to vector<128x128xf32>
    %broadcast_in_dim3A_168 = vector.broadcast %jit3A_166 : f32 to vector<128x128xf32>
    %select_n3A_169 = arith.select %lt3A_164, %broadcast_in_dim3A_167, %broadcast_in_dim3A_168 : vector<128x128xi1>, vector<128x128xf32>
    %le3A = arith.cmpi sle, %iota3A_162, %iota3A_163 : vector<128x128xi32>
    %jit3A_170 = arith.constant 1.000000e+00 : f32
    %jit3A_171 = arith.constant 0.000000e+00 : f32
    %broadcast_in_dim3A_172 = vector.broadcast %jit3A_170 : f32 to vector<128x128xf32>
    %broadcast_in_dim3A_173 = vector.broadcast %jit3A_171 : f32 to vector<128x128xf32>
    %select_n3A_174 = arith.select %le3A, %broadcast_in_dim3A_172, %broadcast_in_dim3A_173 : vector<128x128xi1>, vector<128x128xf32>
    %mul3A_175 = arith.constant 2.560000e+02 : f32
    %mul3A_176 = vector.broadcast %mul3A_175 : f32 to vector<1x128xf32>
    %mul3A_177 = arith.mulf %floor3A, %mul3A_176 : vector<1x128xf32>
    %dot_general3A_178 = arith.constant dense<0.000000e+00> : vector<1x128xf32>
    %dot_general3A_179 = tpu.matmul %mul3A_177, %select_n3A_169, %dot_general3A_178 {dimension_numbers = #tpu.dot_dimension_numbers<[1], [0], [0], [1], [0, 0, 1, 1], [], []>, transpose_lhs_hint = false} : vector<1x128xf32>, vector<128x128xf32>, vector<1x128xf32> -> vector<1x128xf32>
    %dot_general3A_180 = arith.constant dense<0.000000e+00> : vector<1x128xf32>
    %dot_general3A_181 = tpu.matmul %floor3A, %select_n3A_174, %dot_general3A_180 {dimension_numbers = #tpu.dot_dimension_numbers<[1], [0], [0], [1], [0, 0, 1, 1], [], []>, transpose_lhs_hint = false} : vector<1x128xf32>, vector<128x128xf32>, vector<1x128xf32> -> vector<1x128xf32>
    %convert_element_type3A_182 = arith.sitofp %iota3A_162 : vector<128x128xi32> to vector<128x128xf32>
    %broadcast_in_dim3A_183 = vector.shape_cast %dot_general3A_181 : vector<1x128xf32> to vector<1x128xf32>
    %broadcast_in_dim3A_184 = vector.broadcast %broadcast_in_dim3A_183 : vector<1x128xf32> to vector<128x128xf32>
    %le3A_185 = arith.cmpf ole, %broadcast_in_dim3A_184, %convert_element_type3A_182 : vector<128x128xf32>
    %lt3A_186 = arith.constant 8 : i32
    %lt3A_187 = vector.broadcast %lt3A_186 : i32 to vector<128x128xi32>
    %lt3A_188 = arith.cmpi slt, %iota3A_163, %lt3A_187 : vector<128x128xi32>
    %and3A = arith.andi %le3A_185, %lt3A_188 : vector<128x128xi1>
    %jit3A_189 = arith.constant 1.000000e+00 : f32
    %jit3A_190 = arith.constant 0.000000e+00 : f32
    %broadcast_in_dim3A_191 = vector.broadcast %jit3A_189 : f32 to vector<128x128xf32>
    %broadcast_in_dim3A_192 = vector.broadcast %jit3A_190 : f32 to vector<128x128xf32>
    %select_n3A_193 = arith.select %and3A, %broadcast_in_dim3A_191, %broadcast_in_dim3A_192 : vector<128x128xi1>, vector<128x128xf32>
    %reduce_sum3A_194 = arith.constant dense<0.000000e+00> : vector<128xf32>
    %reduce_sum3A_195 = vector.multi_reduction <add>, %select_n3A_193, %reduce_sum3A_194 [1] : vector<128x128xf32> to vector<128xf32>
    %broadcast_in_dim3A_196 = vector.shape_cast %reduce_sum3A_195 : vector<128xf32> to vector<128x1xf32>
    %min3A = arith.constant 7.000000e+00 : f32
    %min3A_197 = vector.broadcast %min3A : f32 to vector<128x1xf32>
    %min3A_198 = arith.minimumf %broadcast_in_dim3A_196, %min3A_197 : vector<128x1xf32>
    %convert_element_type3A_199 = arith.fptosi %min3A_198 : vector<128x1xf32> to vector<128x1xi32>
    %swap3A_200 = arith.constant 0 : index
    %swap3A_201 = arith.constant 0 : index
    %swap3A_202 = vector.load %arg5[%swap3A_200, %swap3A_201] : memref<128x1xi32, #tpu.memory_space<vmem>>, vector<128x1xi32>
    tpu.vector_store %arg5[%swap3A_200, %swap3A_201], %convert_element_type3A_199 {strides = array<i32>} : memref<128x1xi32, #tpu.memory_space<vmem>>, vector<128x1xi32>,
    %iota3A_203 = tpu.iota {dimensions = array<i32: 0>} : vector<256x256xi32>
    %iota3A_204 = tpu.iota {dimensions = array<i32: 1>} : vector<256x256xi32>
    %ge3A = arith.cmpi sge, %iota3A_203, %iota3A_204 : vector<256x256xi32>
    %jit3A_205 = arith.constant 1.000000e+00 : f32
    %jit3A_206 = arith.constant 0.000000e+00 : f32
    %broadcast_in_dim3A_207 = vector.broadcast %jit3A_205 : f32 to vector<256x256xf32>
    %broadcast_in_dim3A_208 = vector.broadcast %jit3A_206 : f32 to vector<256x256xf32>
    %select_n3A_209 = arith.select %ge3A, %broadcast_in_dim3A_207, %broadcast_in_dim3A_208 : vector<256x256xi1>, vector<256x256xf32>
    %broadcast_in_dim3A_210 = arith.constant 0.000000e+00 : f32
    %broadcast_in_dim3A_211 = vector.broadcast %broadcast_in_dim3A_210 : f32 to vector<1x128xf32>
    %scan3A = arith.constant 0 : i32
    %scan3A_212 = arith.constant 16 : i32
    %scan3A_213 = arith.addi %scan3A, %scan3A_212 : i32
    %scan3A_214 = arith.constant 1 : i32
    %scan3A_215 = scf.for %scan3A_217 = %scan3A to %scan3A_213 step %scan3A_214 iter_args(%scan3A_218 = %broadcast_in_dim3A_211) -> (vector<1x128xf32>)  : i32 {
      %mul3A_219 = arith.constant 256 : i32
      %mul3A_220 = arith.muli %scan3A_217, %mul3A_219 : i32
      %get3A_221 = arith.index_cast %mul3A_220 : i32 to index
      %get3A_222 = arith.constant 0 : index
      %get3A_223 = vector.load %arg7[%get3A_221, %get3A_222] : memref<4096x128xf32, #tpu.memory_space<vmem>>, vector<256x128xf32>
      %dot_general3A_224 = arith.constant dense<0.000000e+00> : vector<256x128xf32>
      %dot_general3A_225 = tpu.matmul %select_n3A_209, %get3A_223, %dot_general3A_224 {dimension_numbers = #tpu.dot_dimension_numbers<[1], [0], [0], [1], [0, 0, 1, 1], [], []>, transpose_lhs_hint = false} : vector<256x256xf32>, vector<256x128xf32>, vector<256x128xf32> -> vector<256x128xf32>
      %sub3A_226 = arith.subf %dot_general3A_225, %get3A_223 : vector<256x128xf32>
      %add3A_227 = vector.broadcast %scan3A_218 : vector<1x128xf32> to vector<256x128xf32>
      %add3A_228 = arith.addf %sub3A_226, %add3A_227 : vector<256x128xf32>
      %add3A_229 = vector.broadcast %dot_general3A_179 : vector<1x128xf32> to vector<256x128xf32>
      %add3A_230 = arith.addf %add3A_228, %add3A_229 : vector<256x128xf32>
      %gt3A_231 = arith.constant 0.000000e+00 : f32
      %gt3A_232 = vector.broadcast %gt3A_231 : f32 to vector<256x128xf32>
      %gt3A_233 = arith.cmpf ogt, %get3A_223, %gt3A_232 : vector<256x128xf32>
      %jit3A_234 = arith.constant 0.000000e+00 : f32
      %broadcast_in_dim3A_235 = vector.broadcast %jit3A_234 : f32 to vector<256x128xf32>
      %select_n3A_236 = arith.select %gt3A_233, %add3A_230, %broadcast_in_dim3A_235 : vector<256x128xi1>, vector<256x128xf32>
      %reduce_sum3A_237 = arith.constant dense<0.000000e+00> : vector<256xf32>
      %reduce_sum3A_238 = vector.multi_reduction <add>, %select_n3A_236, %reduce_sum3A_237 [1] : vector<256x128xf32> to vector<256xf32>
      %broadcast_in_dim3A_239 = vector.shape_cast %reduce_sum3A_238 : vector<256xf32> to vector<256x1xf32>
      %convert_element_type3A_240 = arith.fptosi %broadcast_in_dim3A_239 : vector<256x1xf32> to vector<256x1xi32>
      %mul3A_241 = arith.constant 256 : i32
      %mul3A_242 = arith.muli %scan3A_217, %mul3A_241 : i32
      %swap3A_243 = arith.index_cast %mul3A_242 : i32 to index
      %swap3A_244 = arith.constant 0 : index
      %swap3A_245 = vector.load %arg4[%swap3A_243, %swap3A_244] : memref<4096x1xi32, #tpu.memory_space<vmem>>, vector<256x1xi32>
      tpu.vector_store %arg4[%swap3A_243, %swap3A_244], %convert_element_type3A_240 {strides = array<i32>} : memref<4096x1xi32, #tpu.memory_space<vmem>>, vector<256x1xi32>,
      %reduce_sum3A_246 = arith.constant dense<0.000000e+00> : vector<128xf32>
      %reduce_sum3A_247 = vector.multi_reduction <add>, %get3A_223, %reduce_sum3A_246 [0] : vector<256x128xf32> to vector<128xf32>
      %broadcast_in_dim3A_248 = vector.shape_cast %reduce_sum3A_247 : vector<128xf32> to vector<1x128xf32>
      %add3A_249 = arith.addf %scan3A_218, %broadcast_in_dim3A_248 : vector<1x128xf32>
      scf.yield %add3A_249 : vector<1x128xf32>
    }
    %scan3A_216 = arith.constant 16 : i32
    return
  }
}

module attributes {stable_mosaic.version = 14 : i64} {
  func.func @_combine_body(%arg0: i32, %arg1: memref<256x1024xf32, #tpu.memory_space<vmem>>, %arg2: memref<256x1024xf32, #tpu.memory_space<vmem>>, %arg3: memref<256x1xf32, #tpu.memory_space<vmem>>, %arg4: memref<256x1xf32, #tpu.memory_space<vmem>>, %arg5: memref<256x1024xf32, #tpu.memory_space<vmem>>) attributes {dimension_semantics = [#tpu.dimension_semantics<arbitrary>], iteration_bounds = array<i64: 8>, scalar_prefetch = 0 : i64, scratch_operands = 0 : i64, tpu.core_type = #tpu.core_type<tc>, window_params = [{transform_indices = @transform_0, window_bounds = array<i64: 256, 1024>}, {transform_indices = @transform_1, window_bounds = array<i64: 256, 1024>}, {transform_indices = @transform_2, window_bounds = array<i64: 256, 1>}, {transform_indices = @transform_3, window_bounds = array<i64: 256, 1>}, {transform_indices = @transform_4, window_bounds = array<i64: 256, 1024>}]} {
    %get3A = arith.constant 0 : index
    %get3A_0 = arith.constant 0 : index
    %get3A_1 = vector.load %arg3[%get3A, %get3A_0] : memref<256x1xf32, #tpu.memory_space<vmem>>, vector<256x1xf32>
    %convert_element_type3A = arith.truncf %get3A_1 : vector<256x1xf32> to vector<256x1xbf16>
    %convert_element_type3A_2 = arith.extf %convert_element_type3A : vector<256x1xbf16> to vector<256x1xf32>
    %get3A_3 = arith.constant 0 : index
    %get3A_4 = arith.constant 0 : index
    %get3A_5 = vector.load %arg4[%get3A_3, %get3A_4] : memref<256x1xf32, #tpu.memory_space<vmem>>, vector<256x1xf32>
    %convert_element_type3A_6 = arith.truncf %get3A_5 : vector<256x1xf32> to vector<256x1xbf16>
    %convert_element_type3A_7 = arith.extf %convert_element_type3A_6 : vector<256x1xbf16> to vector<256x1xf32>
    %get3A_8 = arith.constant 0 : index
    %get3A_9 = arith.constant 0 : index
    %get3A_10 = vector.load %arg1[%get3A_8, %get3A_9] : memref<256x1024xf32, #tpu.memory_space<vmem>>, vector<256x1024xf32>
    %convert_element_type3A_11 = arith.truncf %get3A_10 : vector<256x1024xf32> to vector<256x1024xbf16>
    %convert_element_type3A_12 = arith.extf %convert_element_type3A_11 : vector<256x1024xbf16> to vector<256x1024xf32>
    %get3A_13 = arith.constant 0 : index
    %get3A_14 = arith.constant 0 : index
    %get3A_15 = vector.load %arg2[%get3A_13, %get3A_14] : memref<256x1024xf32, #tpu.memory_space<vmem>>, vector<256x1024xf32>
    %convert_element_type3A_16 = arith.truncf %get3A_15 : vector<256x1024xf32> to vector<256x1024xbf16>
    %convert_element_type3A_17 = arith.extf %convert_element_type3A_16 : vector<256x1024xbf16> to vector<256x1024xf32>
    %mul3A = vector.broadcast %convert_element_type3A_2 : vector<256x1xf32> to vector<256x1024xf32>
    %mul3A_18 = arith.mulf %mul3A, %convert_element_type3A_12 : vector<256x1024xf32>
    %mul3A_19 = vector.broadcast %convert_element_type3A_7 : vector<256x1xf32> to vector<256x1024xf32>
    %mul3A_20 = arith.mulf %mul3A_19, %convert_element_type3A_17 : vector<256x1024xf32>
    %add3A = arith.addf %mul3A_18, %mul3A_20 : vector<256x1024xf32>
    %eq3A = arith.constant 0.000000e+00 : f32
    %eq3A_21 = vector.broadcast %eq3A : f32 to vector<256x1024xf32>
    %eq3A_22 = arith.cmpf oeq, %add3A, %eq3A_21 : vector<256x1024xf32>
    %jit3A = arith.constant 2.22044605E-16 : f32
    %broadcast_in_dim3A = vector.broadcast %jit3A : f32 to vector<256x1024xf32>
    %select_n3A = arith.select %eq3A_22, %broadcast_in_dim3A, %add3A : vector<256x1024xi1>, vector<256x1024xf32>
    %log3A = math.log %select_n3A : vector<256x1024xf32>
    %swap3A = arith.constant 0 : index
    %swap3A_23 = arith.constant 0 : index
    %swap3A_24 = vector.load %arg5[%swap3A, %swap3A_23] : memref<256x1024xf32, #tpu.memory_space<vmem>>, vector<256x1024xf32>
    tpu.vector_store %arg5[%swap3A, %swap3A_23], %log3A {strides = array<i32>} : memref<256x1024xf32, #tpu.memory_space<vmem>>, vector<256x1024xf32>,
    return
  }
  func.func @transform_0(%arg0: i32) -> (i32, i32) {
    %c0_i32 = arith.constant 0 : i32
    %c0_i32_0 = arith.constant 0 : i32
    return %arg0, %c0_i32 : i32, i32
  }
  func.func @transform_1(%arg0: i32) -> (i32, i32) {
    %c0_i32 = arith.constant 0 : i32
    %c0_i32_0 = arith.constant 0 : i32
    return %arg0, %c0_i32 : i32, i32
  }
  func.func @transform_2(%arg0: i32) -> (i32, i32) {
    %c0_i32 = arith.constant 0 : i32
    %c0_i32_0 = arith.constant 0 : i32
    return %arg0, %c0_i32 : i32, i32
  }
  func.func @transform_3(%arg0: i32) -> (i32, i32) {
    %c0_i32 = arith.constant 0 : i32
    %c0_i32_0 = arith.constant 0 : i32
    return %arg0, %c0_i32 : i32, i32
  }
  func.func @transform_4(%arg0: i32) -> (i32, i32) {
    %c0_i32 = arith.constant 0 : i32
    %c0_i32_0 = arith.constant 0 : i32
    return %arg0, %c0_i32 : i32, i32
  }
}

module attributes {stable_mosaic.version = 14 : i64} {
  func.func @_expert_body(%arg0: i32, %arg1: memref<24xi32, #tpu.memory_space<smem>>, %arg2: memref<256x1024xf32, #tpu.memory_space<vmem>>, %arg3: memref<1x1024x1024xf32, #tpu.memory_space<vmem>>, %arg4: memref<1x1x1024xf32, #tpu.memory_space<vmem>>, %arg5: memref<1x1024x1024xf32, #tpu.memory_space<vmem>>, %arg6: memref<1x1x1024xf32, #tpu.memory_space<vmem>>, %arg7: memref<256x1024xf32, #tpu.memory_space<vmem>>) attributes {dimension_semantics = [#tpu.dimension_semantics<arbitrary>], iteration_bounds = array<i64: 24>, scalar_prefetch = 1 : i64, scratch_operands = 0 : i64, tpu.core_type = #tpu.core_type<tc>, window_params = [{transform_indices = @transform_0, window_bounds = array<i64: 256, 1024>}, {transform_indices = @transform_1, window_bounds = array<i64: 1, 1024, 1024>}, {transform_indices = @transform_2, window_bounds = array<i64: 1, 1, 1024>}, {transform_indices = @transform_3, window_bounds = array<i64: 1, 1024, 1024>}, {transform_indices = @transform_4, window_bounds = array<i64: 1, 1, 1024>}, {transform_indices = @transform_5, window_bounds = array<i64: 256, 1024>}]} {
    %get3A = arith.constant 0 : index
    %get3A_0 = arith.constant 0 : index
    %get3A_1 = vector.load %arg2[%get3A, %get3A_0] : memref<256x1024xf32, #tpu.memory_space<vmem>>, vector<256x1024xf32>
    %get3A_2 = arith.constant 0 : index
    %get3A_3 = arith.constant 0 : index
    %get3A_4 = arith.constant 0 : index
    %get3A_5 = vector.load %arg3[%get3A_2, %get3A_3, %get3A_4] : memref<1x1024x1024xf32, #tpu.memory_space<vmem>>, vector<1x1024x1024xf32>
    %get3A_6 = vector.shape_cast %get3A_5 : vector<1x1024x1024xf32> to vector<1024x1024xf32>
    %dot_general3A = arith.constant dense<0.000000e+00> : vector<256x1024xf32>
    %dot_general3A_7 = tpu.matmul %get3A_1, %get3A_6, %dot_general3A {dimension_numbers = #tpu.dot_dimension_numbers<[1], [0], [0], [1], [0, 0, 1, 1], [], []>, transpose_lhs_hint = false} : vector<256x1024xf32>, vector<1024x1024xf32>, vector<256x1024xf32> -> vector<256x1024xf32>
    %get3A_8 = arith.constant 0 : index
    %get3A_9 = arith.constant 0 : index
    %get3A_10 = arith.constant 0 : index
    %get3A_11 = vector.load %arg4[%get3A_8, %get3A_9, %get3A_10] : memref<1x1x1024xf32, #tpu.memory_space<vmem>>, vector<1x1x1024xf32>
    %get3A_12 = vector.shape_cast %get3A_11 : vector<1x1x1024xf32> to vector<1x1024xf32>
    %add3A = vector.broadcast %get3A_12 : vector<1x1024xf32> to vector<256x1024xf32>
    %add3A_13 = arith.addf %dot_general3A_7, %add3A : vector<256x1024xf32>
    %max3A = arith.constant 0.000000e+00 : f32
    %max3A_14 = vector.broadcast %max3A : f32 to vector<256x1024xf32>
    %max3A_15 = arith.maximumf %add3A_13, %max3A_14 : vector<256x1024xf32>
    %get3A_16 = arith.constant 0 : index
    %get3A_17 = arith.constant 0 : index
    %get3A_18 = arith.constant 0 : index
    %get3A_19 = vector.load %arg5[%get3A_16, %get3A_17, %get3A_18] : memref<1x1024x1024xf32, #tpu.memory_space<vmem>>, vector<1x1024x1024xf32>
    %get3A_20 = vector.shape_cast %get3A_19 : vector<1x1024x1024xf32> to vector<1024x1024xf32>
    %dot_general3A_21 = arith.constant dense<0.000000e+00> : vector<256x1024xf32>
    %dot_general3A_22 = tpu.matmul %max3A_15, %get3A_20, %dot_general3A_21 {dimension_numbers = #tpu.dot_dimension_numbers<[1], [0], [0], [1], [0, 0, 1, 1], [], []>, transpose_lhs_hint = false} : vector<256x1024xf32>, vector<1024x1024xf32>, vector<256x1024xf32> -> vector<256x1024xf32>
    %get3A_23 = arith.constant 0 : index
    %get3A_24 = arith.constant 0 : index
    %get3A_25 = arith.constant 0 : index
    %get3A_26 = vector.load %arg6[%get3A_23, %get3A_24, %get3A_25] : memref<1x1x1024xf32, #tpu.memory_space<vmem>>, vector<1x1x1024xf32>
    %get3A_27 = vector.shape_cast %get3A_26 : vector<1x1x1024xf32> to vector<1x1024xf32>
    %add3A_28 = vector.broadcast %get3A_27 : vector<1x1024xf32> to vector<256x1024xf32>
    %add3A_29 = arith.addf %dot_general3A_22, %add3A_28 : vector<256x1024xf32>
    %exp3A = math.exp %add3A_29 : vector<256x1024xf32>
    %swap3A = arith.constant 0 : index
    %swap3A_30 = arith.constant 0 : index
    %swap3A_31 = vector.load %arg7[%swap3A, %swap3A_30] : memref<256x1024xf32, #tpu.memory_space<vmem>>, vector<256x1024xf32>
    tpu.vector_store %arg7[%swap3A, %swap3A_30], %exp3A {strides = array<i32>} : memref<256x1024xf32, #tpu.memory_space<vmem>>, vector<256x1024xf32>,
    return
  }
  func.func @transform_0(%arg0: i32, %arg1: memref<24xi32, #tpu.memory_space<smem>>) -> (i32, i32) {
    %c0_i32 = arith.constant 0 : i32
    %c0_i32_0 = arith.constant 0 : i32
    return %arg0, %c0_i32 : i32, i32
  }
  func.func @transform_1(%arg0: i32, %arg1: memref<24xi32, #tpu.memory_space<smem>>) -> (i32, i32, i32) {
    %get3A = arith.index_cast %arg0 : i32 to index
    %get3A_0 = memref.load %arg1[%get3A] : memref<24xi32, #tpu.memory_space<smem>>
    %c0_i32 = arith.constant 0 : i32
    %c0_i32_1 = arith.constant 0 : i32
    %c0_i32_2 = arith.constant 0 : i32
    return %get3A_0, %c0_i32, %c0_i32_1 : i32, i32, i32
  }
  func.func @transform_2(%arg0: i32, %arg1: memref<24xi32, #tpu.memory_space<smem>>) -> (i32, i32, i32) {
    %get3A = arith.index_cast %arg0 : i32 to index
    %get3A_0 = memref.load %arg1[%get3A] : memref<24xi32, #tpu.memory_space<smem>>
    %c0_i32 = arith.constant 0 : i32
    %c0_i32_1 = arith.constant 0 : i32
    %c0_i32_2 = arith.constant 0 : i32
    return %get3A_0, %c0_i32, %c0_i32_1 : i32, i32, i32
  }
  func.func @transform_3(%arg0: i32, %arg1: memref<24xi32, #tpu.memory_space<smem>>) -> (i32, i32, i32) {
    %get3A = arith.index_cast %arg0 : i32 to index
    %get3A_0 = memref.load %arg1[%get3A] : memref<24xi32, #tpu.memory_space<smem>>
    %c0_i32 = arith.constant 0 : i32
    %c0_i32_1 = arith.constant 0 : i32
    %c0_i32_2 = arith.constant 0 : i32
    return %get3A_0, %c0_i32, %c0_i32_1 : i32, i32, i32
  }
  func.func @transform_4(%arg0: i32, %arg1: memref<24xi32, #tpu.memory_space<smem>>) -> (i32, i32, i32) {
    %get3A = arith.index_cast %arg0 : i32 to index
    %get3A_0 = memref.load %arg1[%get3A] : memref<24xi32, #tpu.memory_space<smem>>
    %c0_i32 = arith.constant 0 : i32
    %c0_i32_1 = arith.constant 0 : i32
    %c0_i32_2 = arith.constant 0 : i32
    return %get3A_0, %c0_i32, %c0_i32_1 : i32, i32, i32
  }
  func.func @transform_5(%arg0: i32, %arg1: memref<24xi32, #tpu.memory_space<smem>>) -> (i32, i32) {
    %c0_i32 = arith.constant 0 : i32
    %c0_i32_0 = arith.constant 0 : i32
    return %arg0, %c0_i32 : i32, i32
  }
}

</mosaic_0001>

<sc_bundles>
// kernel: kernel.10.cloned.1.call-start
scs
__scs_entry_jumppad:
0x0: {  	(pc) =	sbr.rel $0x88, $3  }
0x1: {  	(tag) =	ssettag $0x0;
	lr =	simm.s32 $0x1  }
0x2: {  	[smem:$0x3F9B] =	sst lr;
	_ =	strace $0xD0000000  }
0x3: {  	_ = 	snop  }
0x4: {  	_ = 	snop  }
0x5: {  	_ = 	snop  }
0x6: {  	_ = 	snop  }
0x7: {  	_ = 	snop  }
__scs_overlays_trampoline_lowered:
0x8: {  	[smem:$0x3FAA] =	sst s0  }
0x9: {  	[smem:$0x3FAB] =	sst s1  }
0xa: {  	[smem:$0x3FAC] =	sst s2  }
0xb: {  	[smem:$0x3FAD] =	sst s3  }
0xc: {  	[smem:$0x3FAE] =	sst s4  }
0xd: {  	[smem:$0x3FAF] =	sst s5  }
0xe: {  	[smem:$0x3FB0] =	sst s6  }
0xf: {  	[smem:$0x3FB1] =	sst s7  }
0x10: {  	[smem:$0x3FB2] =	sst s8  }
0x11: {  	[smem:$0x3FB3] =	sst s9;
	s0 =	simm.s32 @!p0 $0x0  }
0x12: {  	s1 =	sld [smem:$0x3F99];
	s0 =	simm.s32 @p0 $0x1  }
0x13: {  	[smem:$0x3FB4] =	sst s0;
	s0 =	simm.s32 @!p1 $0x0  }
0x14: {  	s2 =	sld [smem:$0x3F98];
	s0 =	simm.s32 @p1 $0x1  }
0x15: {  	[smem:$0x3FB5] =	sst s0;
	s0 =	simm.s32 @!p2 $0x0  }
0x16: {  	s3 =	sld [smem:$0x3FDB];
	s0 =	simm.s32 @p2 $0x1  }
0x17: {  	s4 =	simm.s32 $0x1BF5;
	[smem:$0x3FB7] =	sst s0  }
0x18: {  	s0 =	sld [smem:$0x3F9A];
	_ =	swait.ge [sflag:s4], $0x0  }
0x19: {  	s7 =	sld [smem:$0x3F9B]  }
0x1a: {  	s8 =	sadd.s32 $0xFFFFE003, lr  }
0x1b: {  	s9 =	sadd.s32 $0xFFFFFEF7, lr;
	s5 =	simm.s32 $0xFFFFFFFF;
	p2 =	slt.u32 s8, $0xFFFFF086  }
0x1c: {  	p1 =	slt.u32 s9, $0xF7A;
	s5 =	simm.s32 @!p2 $0x0  }
0x1d: {  	s5 =	simm.s32 @p1 $0x1;
	p0 =	seq.s32 s7, s2  }
0x1e: {  	s7 =	smul.u32 @!p0 $0xF7A, s2;
	p2 =	seq.s32 @!p0 s5, $0x0  }
0x1f: {  	s9 =	smul.u32 $0xF7A, s1;
	s8 =	simm.s32 @!p0 $0x1BF5;
	p2 =	por !p2, p0  }
0x20: {  	[sflag:s8] =	ssyncset.s32 @!p0 $0xFFFFF086;
	s6 =	sadd.s32 @!p0 s3, s7;
	s7 =	simm.s32 @!p0 $0x108  }
0x21: {  	s3 =	sadd.s32 s3, s9;
	s6 =	sadd.s32 @!p0 $0x88, s6;
	s7 =	simm.s32 @p2 $0x1082  }
0x22: {  	[simem:s7], [sflag:s8] =	dma.local @!p0 [hbm:s6], $0xF7A  }
0x23: {  	s9 =	sor.u32 $0xD0000000, s2;
	s6 =	simm.s32 $0x108;
	_ =	swait.ge @!p0 [sflag:s8], $0x0  }
0x24: {  	s3 =	sadd.s32 $0x88, s3;
	s6 =	simm.s32 @!p1 $0x1082;
	[sflag:s4] =	ssyncset.s32 $0xFFFFF086  }
0x25: {  	[simem:s6], [sflag:s4] =	dma.local [hbm:s3], $0xF7A  }
0x26: {  	[smem:$0x3F9B] =	sst s1;
	(tag) =	ssettag s2;
	_ =	strace s9  }
0x27: {  	s1 =	sld [smem:$0x3FAB]  }
0x28: {  	s2 =	sld [smem:$0x3FAC]  }
0x29: {  	s4 =	sld [smem:$0x3FAE]  }
0x2a: {  	p0 =	seq.s32 s5, $0x0;
	s5 =	sld [smem:$0x3FAF]  }
0x2b: {  	s6 =	sld [smem:$0x3FB0]  }
0x2c: {  	s7 =	sld [smem:$0x3FB1]  }
0x2d: {  	s3 =	simm.s32 $0x108;
	s8 =	sld [smem:$0x3FB2]  }
0x2e: {  	s3 =	simm.s32 @!p0 $0x1082;
	s9 =	sld [smem:$0x3FB3]  }
0x2f: {  	lr =	sadd.s32 s0, s3;
	s0 =	sld [smem:$0x3FAA]  }
0x30: {  	s3 =	sld [smem:$0x3FAD]  }
0x31: {  	[smem:$0x3FB6] =	sst s10  }
0x32: {  	s10 =	sld [smem:$0x3FB4];
	_ =	sdelay $0x3  }
0x33: {  	p0 =	seq.s32 s10, $0x1;
	s10 =	sld [smem:$0x3FB6];
	_ =	sdelay $0x3  }
0x34: {  	[smem:$0x3FB6] =	sst s10  }
0x35: {  	s10 =	sld [smem:$0x3FB5];
	_ =	sdelay $0x3  }
0x36: {  	p1 =	seq.s32 s10, $0x1;
	s10 =	sld [smem:$0x3FB6];
	_ =	sdelay $0x3  }
0x37: {  	[smem:$0x3FB6] =	sst s10  }
0x38: {  	s10 =	sld [smem:$0x3FB7]  }
0x39: {  	_ = 	snop;
	(pc) =	sbr.ind lr, $3  }
0x3a: {  	_ = 	snop  }
0x3b: {  	_ = 	snop  }
0x3c: {  	p2 =	seq.s32 s10, $0x1;
	s10 =	sld [smem:$0x3FB6]  }
0x3d: {  	_ =	shalt  }
0x3e: {  	_ =	shalt  }
0x3f: {  	_ =	shalt  }
0x40: {  	_ =	shalt  }
0x41: {  	_ =	shalt  }
0x42: {  	_ =	shalt  }
0x43: {  	_ =	shalt  }
0x44: {  	_ =	shalt  }
0x45: {  	_ =	shalt  }
0x46: {  	_ =	shalt  }
0x47: {  	_ =	shalt  }
0x48: {  	_ =	shalt  }
0x49: {  	_ =	shalt  }
0x4a: {  	_ =	shalt  }
0x4b: {  	_ =	shalt  }
0x4c: {  	_ =	shalt  }
0x4d: {  	_ =	shalt  }
0x4e: {  	_ =	shalt  }
0x4f: {  	_ =	shalt  }
0x50: {  	_ =	shalt  }
0x51: {  	_ =	shalt  }
0x52: {  	_ =	shalt  }
0x53: {  	_ =	shalt  }
0x54: {  	_ =	shalt  }
0x55: {  	_ =	shalt  }
0x56: {  	_ =	shalt  }
0x57: {  	_ =	shalt  }
0x58: {  	_ =	shalt  }
0x59: {  	_ =	shalt  }
0x5a: {  	_ =	shalt  }
0x5b: {  	_ =	shalt  }
0x5c: {  	_ =	shalt  }
0x5d: {  	_ =	shalt  }
0x5e: {  	_ =	shalt  }
0x5f: {  	_ =	shalt  }
0x60: {  	_ =	shalt  }
0x61: {  	_ =	shalt  }
0x62: {  	_ =	shalt  }
0x63: {  	_ =	shalt  }
0x64: {  	_ =	shalt  }
0x65: {  	_ =	shalt  }
0x66: {  	_ =	shalt  }
0x67: {  	_ =	shalt  }
0x68: {  	_ =	shalt  }
0x69: {  	_ =	shalt  }
0x6a: {  	_ =	shalt  }
0x6b: {  	_ =	shalt  }
0x6c: {  	_ =	shalt  }
0x6d: {  	_ =	shalt  }
0x6e: {  	_ =	shalt  }
0x6f: {  	_ =	shalt  }
0x70: {  	_ =	shalt  }
0x71: {  	_ =	shalt  }
0x72: {  	_ =	shalt  }
0x73: {  	_ =	shalt  }
0x74: {  	_ =	shalt  }
0x75: {  	_ =	shalt  }
0x76: {  	_ =	shalt  }
0x77: {  	_ =	shalt  }
0x78: {  	_ =	shalt  }
0x79: {  	_ =	shalt  }
0x7a: {  	_ =	shalt  }
0x7b: {  	_ =	shalt  }
0x7c: {  	_ =	shalt  }
0x7d: {  	_ =	shalt  }
0x7e: {  	_ =	shalt  }
0x7f: {  	_ =	shalt  }
0x80: {  	_ =	shalt  }
0x81: {  	_ =	shalt  }
0x82: {  	_ =	shalt  }
0x83: {  	_ =	shalt  }
0x84: {  	_ =	shalt  }
0x85: {  	_ =	shalt  }
0x86: {  	_ =	shalt  }
0x87: {  	_ =	shalt  }
.Lfunc_end0:
.L_simem_size_0:
called_computation.1_lowered:
.L_overlay_start_0:
0x88: {  	s2 =	sld [smem:$0x3FD9]  }
0x89: {  	s3 =	sld [smem:$0x3FFE];
	_ =	sdelay $0x1  }
0x8a: {  	s1 =	srdreg.scid  }
0x8b: {  	s0 =	sand.u32 $0x1, s1  }
0x8c: {  	s14 =	sshll.u32 s0, $0xA;
	s2 =	sadd.s32 s3, s2  }
0x8d: {  	s2 =	sadd.s32 s2, s14  }
0x8e: {  	[smem:$0x3FC2] =	sst s2  }
0x8f: {  	_ = 	snop  }
0x90: {  	s2 =	sld [smem:$0x3FD0];
	_ =	sdelay $0x2  }
0x91: {  	s15 =	simm.s32 $0xA;
	s4 =	simm.s32 $0x10  }
0x92: {  	[smem:s4], [sflag:s15] =	dma.local [hbm:s2], $0x1  }
0x93: {  	_ =	swait.eq [sflag:s15], $0x1  }
0x94: {  	[sflag:s15] =	ssyncset.done $0x0  }
0x95: {  	[sflag:s15] =	ssyncadd.s32 $0xFFFFFFFF  }
0x96: {  	s16 =	sld [smem:$0x10];
	(tm) =	ssettm $0x1  }
0x97: {  	s17 =	sld [smem:$0x3FFB];
	_ =	sdelay $0x3  }
0x98: {  	_ =	strace s17  }
0x99: {  	s3 =	sld [smem:$0x3FFC];
	_ =	sdelay $0x3  }
0x9a: {  	_ =	strace s3  }
0x9b: {  	s3 =	sld [smem:$0x3FFD];
	_ =	sdelay $0x3  }
0x9c: {  	_ =	strace s3  }
0x9d: {  	_ =	strace $0x8FFFFFFF  }
0x9e: {  	s18 =	sld [smem:$0x3FDB];
	_ =	sdelay $0x1  }
0x9f: {  	s19 =	simm.s32 $_scs_section_size  }
0xa0: {  	s5 =	simm.s32 $_size__tile_overlayer_lowered;
	s6 =	simm.s32 $_tile_overlayer_lowered  }
0xa1: {  	s22 =	simm.s32 $0x1BFF;
	s21 =	sshll.u32 s6, $0x1;
	s3 =	sadd.s32 s19, s18  }
0xa2: {  	s7 =	simm.s32 $0x0;
	s20 =	sshll.u32 s5, $0x1;
	s5 =	sadd.s32 s21, s3  }
0xa3: {  	[timem:s7], [sflag:s22] =	dma.local [hbm:s5], s20  }
0xa4: {  	_ =	swait.ge [sflag:s22], s20  }
0xa5: {  	s4 =	ssub.s32 $0x0, s20;
	[sflag:s22] =	ssyncset.done $0x0  }
0xa6: {  	[sflag:s22] =	ssyncadd.s32 s4;
	_ =	sdelay $0x1  }
0xa7: {  	s23 =	simm.s32 $0x1B8B  }
0xa8: {  	_ =	swait.ge [sflag:s23], $0x1  }
0xa9: {  	[sflag:s23] =	ssyncset.done $0x0  }
0xaa: {  	s25 =	simm.s32 $0x1B8E;
	s24 =	sld [smem:$0x3FFE];
	[sflag:s23] =	ssyncadd.s32 $0xFFFFFFFF  }
0xab: {  	s26 =	simm.s32 $execute0_lowered;
	[smem:$0x3FD2] =	sst s25  }
0xac: {  	s5 =	sshll.u32 s26, $0x1;
	_ =	strace $0x80000049;
	[dreg:$0x1] =	wrdreg $0xFFFFFFFF  }
0xad: {  	s28 =	simm.s32 $_size_execute0_lowered;
	s3 =	sadd.s32 s3, s5;
	[dreg:$0x0] =	wrdreg $0x0  }
0xae: {  	s5 =	sshll.u32 s28, $0x1;
	[dreg:$0x2] =	wrdreg s3  }
0xaf: {  	[dreg:$0x3] =	wrdreg s5  }
0xb0: {  	[dreg:$0x4] =	wrdreg $0xC0  }
0xb1: {  	_ =	task [dreg:s7], $0x5FFFF  }
0xb2: {  	[dreg:$0x1] =	wrdreg $0xFFFFFFFF  }
0xb3: {  	[dreg:$0x0] =	wrdreg $0x60  }
0xb4: {  	[dreg:$0x2] =	wrdreg s24  }
0xb5: {  	[dreg:$0x3] =	wrdreg s16  }
0xb6: {  	[dreg:$0x4] =	wrdreg $0x9  }
0xb7: {  	_ =	task.clear_ibuf [dreg:s7], $0x5FFFF;
	_ =	strace $0x90000049  }
0xb8: {  	s29 =	simm.s32 $0x9;
	_ =	strace $0x8000004B  }
0xb9: {  	_ =	swait.ge [sflag:s29], $0x1  }
0xba: {  	[sflag:s29] =	ssyncadd.s32 $0xFFFFFFFF  }
0xbb: {  	_ =	strace $0x9000004B  }
0xbc: {  	_ =	sfence  }
0xbd: {  	s30 =	sld [smem:$0x0];
	_ =	sdelay $0x2  }
0xbe: {  	s31 =	sshll.u32 s1, $0xD;
	s1 =	sshrl.u32 s1, $0x2  }
0xbf: {  	s3 =	sand.u32 $0x4000, s31;
	s1 =	sadd.s32 s1, s30  }
0xc0: {  	s0 =	sor.u32 s3, s0;
	s1 =	sshll.u32 s1, $0x11  }
0xc1: {  	s0 =	sor.u32 s1, s0  }
0xc2: {  	s0 =	sadd.s32 $0x8F2B, s0  }
0xc3: {  	[sflag:s0] =	ssyncadd.remote.s32 $0x1  }
0xc4: {  	_ =	sfence.sel $0xFFFF  }
0xc5: {  	[dreg:$0x0] =	wrdreg $0xFFFFFFFF;
	(pc) =	sbr.abs _section_cstart, $3  }
0xc6: {  	[dreg:$0x1] =	wrdreg $0xFFFFFFFF  }
0xc7: {  	_ =	task.clear_ibuf [dreg:s7], $0x2FFFF;
	_ =	strace $0x9FFFFFFF  }
0xc8: {  	(tm) =	ssettm $0x7FFFFFFF  }
0xc9: {  	_ =	shalt  }
tec
execute0_lowered:
.L_overlay_start_1:
0x0: {  	(tag) =	ssettag $0x1  }
0x1: {  	s0 =	rddreg [dreg:$0x0]  }
0x2: {  	s1 =	rddreg [dreg:$0x1]  }
0x3: {  	s2 =	srdreg.scid;
	s5 =	stileid.u32  }
0x4: {  	s19 =	simm.s32 $0x2;
	s21 =	simm.s32 $0xA00;
	s22 =	simm.s32 $0x1200  }
0x5: {  	s23 =	simm.s32 $0x1A00;
	s28 =	simm.s32 $0x2A00;
	s29 =	simm.s32 $0x3200  }
0x6: {  	s30 =	simm.s32 $0x3A00;
	s31 =	simm.s32 $0x4200;
	s10 =	simm.s32 $0x5A00  }
0x7: {  	s11 =	simm.s32 $0x6200;
	s12 =	simm.s32 $0x6A00;
	s13 =	simm.s32 $0x7200  }
0x8: {  	s14 =	simm.s32 $0x7A00;
	s16 =	simm.s32 $0x9200;
	s17 =	simm.s32 $0x9A00  }
0x9: {  	s18 =	simm.s32 $0xA200;
	s4 =	sand.u32 $0x1, s2;
	s2 =	simm.s32 $0x0  }
0xa: {  	s7 =	sadd.s32 $0x1800, s0;
	s3 =	sshll.u32 s4, $0x4;
	[smem:$0x7FF] =	sst s2  }
0xb: {  	s4 =	ssub.s32 $0x2, s4;
	s5 =	sor.u32 s5, s3;
	_ =	strace $0x8000004A  }
0xc: {  	s9 =	sshrl.u32 s4, $0x1;
	s3 =	sshll.u32 s5, $0x6;
	s5 =	sshll.u32 s5, $0xD  }
0xd: {  	s9 =	ssub.s32 s4, s9;
	s4 =	sadd.s32 $0xC1900, s0;
	s6 =	sadd.s32 s3, s0  }
0xe: {  	s3 =	sadd.s32 $0xC1800, s0;
	s24 =	sadd.s32 s1, s5;
	s8 =	sor.u32 $0x1000, s5  }
0xf: {  	s25 =	sadd.s32 s7, s5;
	s5 =	sadd.s32 $0xC1A00, s0;
	[dreg:$0x4] =	wrdreg s24  }
0x10: {  	s6 =	sadd.s32 $0x1000, s6;
	s1 =	sadd.s32 s1, s8;
	[dreg:$0x6] =	wrdreg s25  }
0x11: {  	s26 =	sadd.s32 s7, s8;
	s7 =	smax.u32 s9, $0x1;
	s8 =	simm.s32 $0x3  }
0x12: {  	v2 =	vlaneseq.u32;
	s24 =	simm.s32 $0x2200;
	s9 =	simm.s32 $0x4A00;
	[dreg:$0x3] =	wrdreg s6  }
0x13: {  	vm0 =	vmmov $0xffff;
	v1 =	vshrl.u32 v2, $0x3;
	s25 =	simm.s32 $0x8200;
	[dreg:$0x5] =	wrdreg s1;
	s6 =	sadd.s32 $0xC1B00, s0  }
0x14: {  	v0 =	vand.u32 $0x7, v2;
	v2 =	vor.u32 $0x8, v2;
	v1 =	vmul.u32 $0x8, v1;
	[dreg:$0x7] =	wrdreg s26;
	s26 =	simm.s32 $0x200;
	s1 =	simm.s32 $0x5200  }
.LBB2_1:
0x15: {  	s20 =	rddreg [dreg:$0x3]  }
0x16: {  	[tilespmem:s2], [sflag:$0x3] =	stream.linear.gather [hbm4b:s20+s2], $0x200, $0x38;
	[tilespmem:$0x10200] =	vst v63  }
0x17: {  	_ =	swait.ge [sflag:s8], $0x200  }
0x18: {  	[sflag:s8] =	ssyncset.done $0x0  }
0x19: {  	[sflag:s8] =	ssyncadd.s32 $0xFFFFFE00  }
0x1a: {  	v3 =	vld [tilespmem:$0x0];
	_ =	sdelay $0x4  }
0x1b: {  	v4 =	vshll.u32 v3, $0x3  }
0x1c: {  	v3 =	vand.u32 $0x7, v3;
	v4 =	vand.u32 $0xFFFFFFC0, v4  }
0x1d: {  	v3 =	vor.u32 v3, v4  }
0x1e: {  	v4 =	vperm.xlane v3, v0;
	_ =	sdelay $0x1  }
0x1f: {  	v4 =	vadd.s32 v1, v4;
	_ =	sdelay $0x4  }
0x20: {  	[tilespmem:s26], [sflag:$0x1] =	stream.indirect_vreg.gather [hbm4b:s3+s2], $0x80, v4, vm0, $0xb8;
	[tilespmem:$0x10200] =	vst v63  }
0x21: {  	v3 =	vperm.xlane v3, v2  }
0x22: {  	[tilespmem:s21], [sflag:$0x1] =	stream.indirect_vreg.gather [hbm4b:s4+s2], $0x80, v4, vm0, $0xb8;
	[tilespmem:$0x10200] =	vst v63  }
0x23: {  	v3 =	vadd.s32 v1, v3  }
0x24: {  	[tilespmem:s22], [sflag:$0x1] =	stream.indirect_vreg.gather [hbm4b:s5+s2], $0x80, v4, vm0, $0xb8;
	[tilespmem:$0x10200] =	vst v63  }
0x25: {  	_ = 	snop  }
0x26: {  	[tilespmem:s23], [sflag:$0x1] =	stream.indirect_vreg.gather [hbm4b:s6+s2], $0x80, v4, vm0, $0xb8;
	[tilespmem:$0x10200] =	vst v63  }
0x27: {  	_ = 	snop  }
0x28: {  	[tilespmem:s24], [sflag:$0x1] =	stream.indirect_vreg.gather [hbm4b:s3+s2], $0x80, v3, vm0, $0xb8;
	[tilespmem:$0x10200] =	vst v63  }
0x29: {  	_ = 	snop  }
0x2a: {  	[tilespmem:s28], [sflag:$0x1] =	stream.indirect_vreg.gather [hbm4b:s4+s2], $0x80, v3, vm0, $0xb8;
	[tilespmem:$0x10200] =	vst v63  }
0x2b: {  	_ = 	snop  }
0x2c: {  	[tilespmem:s29], [sflag:$0x1] =	stream.indirect_vreg.gather [hbm4b:s5+s2], $0x80, v3, vm0, $0xb8;
	[tilespmem:$0x10200] =	vst v63  }
0x2d: {  	_ = 	snop  }
0x2e: {  	[tilespmem:s30], [sflag:$0x1] =	stream.indirect_vreg.gather [hbm4b:s6+s2], $0x80, v3, vm0, $0xb8;
	[tilespmem:$0x10200] =	vst v63  }
0x2f: {  	v3 =	vld [tilespmem:$0x10];
	_ =	sdelay $0x4  }
0x30: {  	v57 =	vshll.u32 v3, $0x3  }
0x31: {  	v3 =	vand.u32 $0x7, v3;
	v4 =	vand.u32 $0xFFFFFFC0, v57  }
0x32: {  	v3 =	vor.u32 v3, v4  }
0x33: {  	v4 =	vperm.xlane v3, v0;
	_ =	sdelay $0x1  }
0x34: {  	v4 =	vadd.s32 v1, v4;
	_ =	sdelay $0x4  }
0x35: {  	[tilespmem:s31], [sflag:$0x1] =	stream.indirect_vreg.gather [hbm4b:s3+s2], $0x80, v4, vm0, $0xb8;
	[tilespmem:$0x10200] =	vst v63  }
0x36: {  	v3 =	vperm.xlane v3, v2  }
0x37: {  	[tilespmem:s9], [sflag:$0x1] =	stream.indirect_vreg.gather [hbm4b:s4+s2], $0x80, v4, vm0, $0xb8;
	[tilespmem:$0x10200] =	vst v63  }
0x38: {  	v3 =	vadd.s32 v1, v3  }
0x39: {  	[tilespmem:s1], [sflag:$0x1] =	stream.indirect_vreg.gather [hbm4b:s5+s2], $0x80, v4, vm0, $0xb8;
	[tilespmem:$0x10200] =	vst v63  }
0x3a: {  	_ = 	snop  }
0x3b: {  	[tilespmem:s10], [sflag:$0x1] =	stream.indirect_vreg.gather [hbm4b:s6+s2], $0x80, v4, vm0, $0xb8;
	[tilespmem:$0x10200] =	vst v63  }
0x3c: {  	_ = 	snop  }
0x3d: {  	[tilespmem:s11], [sflag:$0x1] =	stream.indirect_vreg.gather [hbm4b:s3+s2], $0x80, v3, vm0, $0xb8;
	[tilespmem:$0x10200] =	vst v63  }
0x3e: {  	_ = 	snop  }
0x3f: {  	[tilespmem:s12], [sflag:$0x1] =	stream.indirect_vreg.gather [hbm4b:s4+s2], $0x80, v3, vm0, $0xb8;
	[tilespmem:$0x10200] =	vst v63  }
0x40: {  	_ = 	snop  }
0x41: {  	[tilespmem:s13], [sflag:$0x1] =	stream.indirect_vreg.gather [hbm4b:s5+s2], $0x80, v3, vm0, $0xb8;
	[tilespmem:$0x10200] =	vst v63  }
0x42: {  	s0 =	simm.s32 $0x1  }
0x43: {  	[tilespmem:s14], [sflag:$0x1] =	stream.indirect_vreg.gather [hbm4b:s6+s2], $0x80, v3, vm0, $0xb8;
	[tilespmem:$0x10200] =	vst v63  }
0x44: {  	_ =	swait.ge [sflag:s0], $0x8000  }
0x45: {  	[sflag:s0] =	ssyncset.done $0x0  }
0x46: {  	[sflag:s0] =	ssyncadd.s32 $0xFFFF8000  }
0x47: {  	v3 =	vld [tilespmem:$0x80];
	_ =	sdelay $0x4  }
0x48: {  	v58 =	vshll.u32 v3, $0x3  }
0x49: {  	v3 =	vand.u32 $0x7, v3;
	v4 =	vand.u32 $0xFFFFFFC0, v58  }
0x4a: {  	v3 =	vor.u32 v3, v4  }
0x4b: {  	v4 =	vperm.xlane v3, v0;
	_ =	sdelay $0x1  }
0x4c: {  	v4 =	vadd.s32 v1, v4;
	_ =	sdelay $0x4  }
0x4d: {  	[tilespmem:s25], [sflag:$0x2] =	stream.indirect_vreg.gather [hbm4b:s3+s2], $0x80, v4, vm0, $0xb8;
	[tilespmem:$0x10200] =	vst v63  }
0x4e: {  	s15 =	simm.s32 $0x8A00;
	v3 =	vperm.xlane v3, v2  }
0x4f: {  	[tilespmem:s15], [sflag:$0x2] =	stream.indirect_vreg.gather [hbm4b:s4+s2], $0x80, v4, vm0, $0xb8;
	[tilespmem:$0x10200] =	vst v63  }
0x50: {  	v3 =	vadd.s32 v1, v3  }
0x51: {  	[tilespmem:s16], [sflag:$0x2] =	stream.indirect_vreg.gather [hbm4b:s5+s2], $0x80, v4, vm0, $0xb8;
	[tilespmem:$0x10200] =	vst v63  }
0x52: {  	_ = 	snop  }
0x53: {  	[tilespmem:s17], [sflag:$0x2] =	stream.indirect_vreg.gather [hbm4b:s6+s2], $0x80, v4, vm0, $0xb8;
	[tilespmem:$0x10200] =	vst v63  }
0x54: {  	_ = 	snop  }
0x55: {  	[tilespmem:s18], [sflag:$0x2] =	stream.indirect_vreg.gather [hbm4b:s3+s2], $0x80, v3, vm0, $0xb8;
	[tilespmem:$0x10200] =	vst v63  }
0x56: {  	s15 =	simm.s32 $0xAA00  }
0x57: {  	[tilespmem:s15], [sflag:$0x2] =	stream.indirect_vreg.gather [hbm4b:s4+s2], $0x80, v3, vm0, $0xb8;
	[tilespmem:$0x10200] =	vst v63  }
0x58: {  	s15 =	simm.s32 $0xB200  }
0x59: {  	[tilespmem:s15], [sflag:$0x2] =	stream.indirect_vreg.gather [hbm4b:s5+s2], $0x80, v3, vm0, $0xb8;
	[tilespmem:$0x10200] =	vst v63  }
0x5a: {  	s15 =	simm.s32 $0xBA00  }
0x5b: {  	[tilespmem:s15], [sflag:$0x2] =	stream.indirect_vreg.gather [hbm4b:s6+s2], $0x80, v3, vm0, $0xb8;
	[tilespmem:$0x10200] =	vst v63  }
0x5c: {  	v3 =	vld [tilespmem:$0x90];
	_ =	sdelay $0x4  }
0x5d: {  	v59 =	vshll.u32 v3, $0x3  }
0x5e: {  	v3 =	vand.u32 $0x7, v3;
	v4 =	vand.u32 $0xFFFFFFC0, v59  }
0x5f: {  	v3 =	vor.u32 v3, v4  }
0x60: {  	v4 =	vperm.xlane v3, v0;
	_ =	sdelay $0x1  }
0x61: {  	v4 =	vadd.s32 v1, v4;
	_ =	sdelay $0x3  }
0x62: {  	s15 =	simm.s32 $0xC200  }
0x63: {  	[tilespmem:s15], [sflag:$0x2] =	stream.indirect_vreg.gather [hbm4b:s3+s2], $0x80, v4, vm0, $0xb8;
	[tilespmem:$0x10200] =	vst v63  }
0x64: {  	v3 =	vperm.xlane v3, v2;
	s15 =	simm.s32 $0xCA00  }
0x65: {  	[tilespmem:s15], [sflag:$0x2] =	stream.indirect_vreg.gather [hbm4b:s4+s2], $0x80, v4, vm0, $0xb8;
	[tilespmem:$0x10200] =	vst v63  }
0x66: {  	v3 =	vadd.s32 v1, v3;
	s15 =	simm.s32 $0xD200  }
0x67: {  	[tilespmem:s15], [sflag:$0x2] =	stream.indirect_vreg.gather [hbm4b:s5+s2], $0x80, v4, vm0, $0xb8;
	[tilespmem:$0x10200] =	vst v63  }
0x68: {  	s15 =	simm.s32 $0xDA00  }
0x69: {  	[tilespmem:s15], [sflag:$0x2] =	stream.indirect_vreg.gather [hbm4b:s6+s2], $0x80, v4, vm0, $0xb8;
	[tilespmem:$0x10200] =	vst v63  }
0x6a: {  	s15 =	simm.s32 $0xE200  }
0x6b: {  	[tilespmem:s15], [sflag:$0x2] =	stream.indirect_vreg.gather [hbm4b:s3+s2], $0x80, v3, vm0, $0xb8;
	[tilespmem:$0x10200] =	vst v63  }
0x6c: {  	s15 =	simm.s32 $0xEA00  }
0x6d: {  	[tilespmem:s15], [sflag:$0x2] =	stream.indirect_vreg.gather [hbm4b:s4+s2], $0x80, v3, vm0, $0xb8;
	[tilespmem:$0x10200] =	vst v63  }
0x6e: {  	s15 =	simm.s32 $0xF200  }
0x6f: {  	[tilespmem:s15], [sflag:$0x2] =	stream.indirect_vreg.gather [hbm4b:s5+s2], $0x80, v3, vm0, $0xb8;
	[tilespmem:$0x10200] =	vst v63  }
0x70: {  	s15 =	simm.s32 $0xFA00  }
0x71: {  	[tilespmem:s15], [sflag:$0x2] =	stream.indirect_vreg.gather [hbm4b:s6+s2], $0x80, v3, vm0, $0xb8;
	[tilespmem:$0x10200] =	vst v63  }
0x72: {  	s20 =	rddreg [dreg:$0x4]  }
0x73: {  	[hbm4b:s20+s2] =	stream.linear.scatter [tilespmem:s26], [sflag:$0x3], $0x8000, $0x38;
	[tilespmem:$0x10200] =	vst v63  }
0x74: {  	_ =	swait.ge [sflag:s8], $0x8000  }
0x75: {  	[sflag:s8] =	ssyncset.done $0x0  }
0x76: {  	[sflag:s8] =	ssyncadd.s32 $0xFFFF8000  }
0x77: {  	_ =	swait.ge [sflag:s19], $0x8000  }
0x78: {  	[sflag:s19] =	ssyncset.done $0x0  }
0x79: {  	[sflag:s19] =	ssyncadd.s32 $0xFFFF8000  }
0x7a: {  	v3 =	vld [tilespmem:$0x100];
	_ =	sdelay $0x4  }
0x7b: {  	v60 =	vshll.u32 v3, $0x3  }
0x7c: {  	v3 =	vand.u32 $0x7, v3;
	v4 =	vand.u32 $0xFFFFFFC0, v60  }
0x7d: {  	v3 =	vor.u32 v3, v4  }
0x7e: {  	v4 =	vperm.xlane v3, v0;
	_ =	sdelay $0x1  }
0x7f: {  	v4 =	vadd.s32 v1, v4;
	_ =	sdelay $0x4  }
0x80: {  	[tilespmem:s26], [sflag:$0x1] =	stream.indirect_vreg.gather [hbm4b:s3+s2], $0x80, v4, vm0, $0xb8;
	[tilespmem:$0x10200] =	vst v63  }
0x81: {  	v3 =	vperm.xlane v3, v2  }
0x82: {  	[tilespmem:s21], [sflag:$0x1] =	stream.indirect_vreg.gather [hbm4b:s4+s2], $0x80, v4, vm0, $0xb8;
	[tilespmem:$0x10200] =	vst v63  }
0x83: {  	v3 =	vadd.s32 v1, v3  }
0x84: {  	[tilespmem:s22], [sflag:$0x1] =	stream.indirect_vreg.gather [hbm4b:s5+s2], $0x80, v4, vm0, $0xb8;
	[tilespmem:$0x10200] =	vst v63  }
0x85: {  	_ = 	snop  }
0x86: {  	[tilespmem:s23], [sflag:$0x1] =	stream.indirect_vreg.gather [hbm4b:s6+s2], $0x80, v4, vm0, $0xb8;
	[tilespmem:$0x10200] =	vst v63  }
0x87: {  	_ = 	snop  }
0x88: {  	[tilespmem:s24], [sflag:$0x1] =	stream.indirect_vreg.gather [hbm4b:s3+s2], $0x80, v3, vm0, $0xb8;
	[tilespmem:$0x10200] =	vst v63  }
0x89: {  	_ = 	snop  }
0x8a: {  	[tilespmem:s28], [sflag:$0x1] =	stream.indirect_vreg.gather [hbm4b:s4+s2], $0x80, v3, vm0, $0xb8;
	[tilespmem:$0x10200] =	vst v63  }
0x8b: {  	_ = 	snop  }
0x8c: {  	[tilespmem:s29], [sflag:$0x1] =	stream.indirect_vreg.gather [hbm4b:s5+s2], $0x80, v3, vm0, $0xb8;
	[tilespmem:$0x10200] =	vst v63  }
0x8d: {  	_ = 	snop  }
0x8e: {  	[tilespmem:s30], [sflag:$0x1] =	stream.indirect_vreg.gather [hbm4b:s6+s2], $0x80, v3, vm0, $0xb8;
	[tilespmem:$0x10200] =	vst v63  }
0x8f: {  	v3 =	vld [tilespmem:$0x110];
	_ =	sdelay $0x4  }
0x90: {  	v61 =	vshll.u32 v3, $0x3  }
0x91: {  	v3 =	vand.u32 $0x7, v3;
	v4 =	vand.u32 $0xFFFFFFC0, v61  }
0x92: {  	v3 =	vor.u32 v3, v4  }
0x93: {  	v4 =	vperm.xlane v3, v0;
	_ =	sdelay $0x1  }
0x94: {  	v4 =	vadd.s32 v1, v4;
	_ =	sdelay $0x4  }
0x95: {  	[tilespmem:s31], [sflag:$0x1] =	stream.indirect_vreg.gather [hbm4b:s3+s2], $0x80, v4, vm0, $0xb8;
	[tilespmem:$0x10200] =	vst v63  }
0x96: {  	v3 =	vperm.xlane v3, v2  }
0x97: {  	[tilespmem:s9], [sflag:$0x1] =	stream.indirect_vreg.gather [hbm4b:s4+s2], $0x80, v4, vm0, $0xb8;
	[tilespmem:$0x10200] =	vst v63  }
0x98: {  	v3 =	vadd.s32 v1, v3  }
0x99: {  	[tilespmem:s1], [sflag:$0x1] =	stream.indirect_vreg.gather [hbm4b:s5+s2], $0x80, v4, vm0, $0xb8;
	[tilespmem:$0x10200] =	vst v63  }
0x9a: {  	_ = 	snop  }
0x9b: {  	[tilespmem:s10], [sflag:$0x1] =	stream.indirect_vreg.gather [hbm4b:s6+s2], $0x80, v4, vm0, $0xb8;
	[tilespmem:$0x10200] =	vst v63  }
0x9c: {  	_ = 	snop  }
0x9d: {  	[tilespmem:s11], [sflag:$0x1] =	stream.indirect_vreg.gather [hbm4b:s3+s2], $0x80, v3, vm0, $0xb8;
	[tilespmem:$0x10200] =	vst v63  }
0x9e: {  	_ = 	snop  }
0x9f: {  	[tilespmem:s12], [sflag:$0x1] =	stream.indirect_vreg.gather [hbm4b:s4+s2], $0x80, v3, vm0, $0xb8;
	[tilespmem:$0x10200] =	vst v63  }
0xa0: {  	_ = 	snop  }
0xa1: {  	[tilespmem:s13], [sflag:$0x1] =	stream.indirect_vreg.gather [hbm4b:s5+s2], $0x80, v3, vm0, $0xb8;
	[tilespmem:$0x10200] =	vst v63  }
0xa2: {  	_ = 	snop  }
0xa3: {  	[tilespmem:s14], [sflag:$0x1] =	stream.indirect_vreg.gather [hbm4b:s6+s2], $0x80, v3, vm0, $0xb8;
	[tilespmem:$0x10200] =	vst v63  }
0xa4: {  	s20 =	rddreg [dreg:$0x5]  }
0xa5: {  	[hbm4b:s20+s2] =	stream.linear.scatter [tilespmem:s25], [sflag:$0x3], $0x8000, $0x38;
	[tilespmem:$0x10200] =	vst v63  }
0xa6: {  	_ =	swait.ge [sflag:s8], $0x8000  }
0xa7: {  	[sflag:s8] =	ssyncset.done $0x0  }
0xa8: {  	[sflag:s8] =	ssyncadd.s32 $0xFFFF8000  }
0xa9: {  	_ =	swait.ge [sflag:s0], $0x8000  }
0xaa: {  	[sflag:s0] =	ssyncset.done $0x0  }
0xab: {  	[sflag:s0] =	ssyncadd.s32 $0xFFFF8000  }
0xac: {  	v3 =	vld [tilespmem:$0x180];
	_ =	sdelay $0x4  }
0xad: {  	v62 =	vshll.u32 v3, $0x3  }
0xae: {  	v3 =	vand.u32 $0x7, v3;
	v4 =	vand.u32 $0xFFFFFFC0, v62  }
0xaf: {  	v3 =	vor.u32 v3, v4  }
0xb0: {  	v4 =	vperm.xlane v3, v0;
	_ =	sdelay $0x1  }
0xb1: {  	v4 =	vadd.s32 v1, v4;
	_ =	sdelay $0x4  }
0xb2: {  	[tilespmem:s25], [sflag:$0x2] =	stream.indirect_vreg.gather [hbm4b:s3+s2], $0x80, v4, vm0, $0xb8;
	[tilespmem:$0x10200] =	vst v63  }
0xb3: {  	s20 =	simm.s32 $0x8A00;
	v3 =	vperm.xlane v3, v2  }
0xb4: {  	[tilespmem:s20], [sflag:$0x2] =	stream.indirect_vreg.gather [hbm4b:s4+s2], $0x80, v4, vm0, $0xb8;
	[tilespmem:$0x10200] =	vst v63  }
0xb5: {  	v3 =	vadd.s32 v1, v3  }
0xb6: {  	[tilespmem:s16], [sflag:$0x2] =	stream.indirect_vreg.gather [hbm4b:s5+s2], $0x80, v4, vm0, $0xb8;
	[tilespmem:$0x10200] =	vst v63  }
0xb7: {  	_ = 	snop  }
0xb8: {  	[tilespmem:s17], [sflag:$0x2] =	stream.indirect_vreg.gather [hbm4b:s6+s2], $0x80, v4, vm0, $0xb8;
	[tilespmem:$0x10200] =	vst v63  }
0xb9: {  	_ = 	snop  }
0xba: {  	[tilespmem:s18], [sflag:$0x2] =	stream.indirect_vreg.gather [hbm4b:s3+s2], $0x80, v3, vm0, $0xb8;
	[tilespmem:$0x10200] =	vst v63  }
0xbb: {  	s20 =	simm.s32 $0xAA00  }
0xbc: {  	[tilespmem:s20], [sflag:$0x2] =	stream.indirect_vreg.gather [hbm4b:s4+s2], $0x80, v3, vm0, $0xb8;
	[tilespmem:$0x10200] =	vst v63  }
0xbd: {  	s20 =	simm.s32 $0xB200  }
0xbe: {  	[tilespmem:s20], [sflag:$0x2] =	stream.indirect_vreg.gather [hbm4b:s5+s2], $0x80, v3, vm0, $0xb8;
	[tilespmem:$0x10200] =	vst v63  }
0xbf: {  	s20 =	simm.s32 $0xBA00  }
0xc0: {  	[tilespmem:s20], [sflag:$0x2] =	stream.indirect_vreg.gather [hbm4b:s6+s2], $0x80, v3, vm0, $0xb8;
	[tilespmem:$0x10200] =	vst v63  }
0xc1: {  	v3 =	vld [tilespmem:$0x190];
	_ =	sdelay $0x4  }
0xc2: {  	v63 =	vshll.u32 v3, $0x3  }
0xc3: {  	v3 =	vand.u32 $0x7, v3;
	v4 =	vand.u32 $0xFFFFFFC0, v63  }
0xc4: {  	v3 =	vor.u32 v3, v4  }
0xc5: {  	v4 =	vperm.xlane v3, v0;
	_ =	sdelay $0x1  }
0xc6: {  	v4 =	vadd.s32 v1, v4;
	_ =	sdelay $0x3  }
0xc7: {  	s20 =	simm.s32 $0xC200  }
0xc8: {  	[tilespmem:s20], [sflag:$0x2] =	stream.indirect_vreg.gather [hbm4b:s3+s2], $0x80, v4, vm0, $0xb8;
	[tilespmem:$0x10200] =	vst v63  }
0xc9: {  	v3 =	vperm.xlane v3, v2;
	s20 =	simm.s32 $0xCA00  }
0xca: {  	[tilespmem:s20], [sflag:$0x2] =	stream.indirect_vreg.gather [hbm4b:s4+s2], $0x80, v4, vm0, $0xb8;
	[tilespmem:$0x10200] =	vst v63  }
0xcb: {  	v3 =	vadd.s32 v1, v3;
	s20 =	simm.s32 $0xD200  }
0xcc: {  	[tilespmem:s20], [sflag:$0x2] =	stream.indirect_vreg.gather [hbm4b:s5+s2], $0x80, v4, vm0, $0xb8;
	[tilespmem:$0x10200] =	vst v63  }
0xcd: {  	s20 =	simm.s32 $0xDA00  }
0xce: {  	[tilespmem:s20], [sflag:$0x2] =	stream.indirect_vreg.gather [hbm4b:s6+s2], $0x80, v4, vm0, $0xb8;
	[tilespmem:$0x10200] =	vst v63  }
0xcf: {  	s20 =	simm.s32 $0xE200  }
0xd0: {  	[tilespmem:s20], [sflag:$0x2] =	stream.indirect_vreg.gather [hbm4b:s3+s2], $0x80, v3, vm0, $0xb8;
	[tilespmem:$0x10200] =	vst v63  }
0xd1: {  	s20 =	simm.s32 $0xEA00  }
0xd2: {  	[tilespmem:s20], [sflag:$0x2] =	stream.indirect_vreg.gather [hbm4b:s4+s2], $0x80, v3, vm0, $0xb8;
	[tilespmem:$0x10200] =	vst v63  }
0xd3: {  	s20 =	simm.s32 $0xF200  }
0xd4: {  	[tilespmem:s20], [sflag:$0x2] =	stream.indirect_vreg.gather [hbm4b:s5+s2], $0x80, v3, vm0, $0xb8;
	[tilespmem:$0x10200] =	vst v63  }
0xd5: {  	s15 =	simm.s32 $0xFA00  }
0xd6: {  	[tilespmem:s15], [sflag:$0x2] =	stream.indirect_vreg.gather [hbm4b:s6+s2], $0x80, v3, vm0, $0xb8;
	[tilespmem:$0x10200] =	vst v63  }
0xd7: {  	s0 =	rddreg [dreg:$0x6]  }
0xd8: {  	[hbm4b:s0+s2] =	stream.linear.scatter [tilespmem:s26], [sflag:$0x3], $0x8000, $0x38;
	[tilespmem:$0x10200] =	vst v63  }
0xd9: {  	_ =	swait.ge [sflag:s8], $0x8000  }
0xda: {  	[sflag:s8] =	ssyncset.done $0x0  }
0xdb: {  	[sflag:s8] =	ssyncadd.s32 $0xFFFF8000  }
0xdc: {  	_ =	swait.ge [sflag:s19], $0x8000  }
0xdd: {  	p0 =	sne.s32 s7, $0x1;
	[sflag:s19] =	ssyncset.done $0x0  }
.Ltmp0:
0xde: {  	s15 =	rddreg [dreg:$0x7];
	[sflag:s19] =	ssyncadd.s32 $0xFFFF8000;
	(pc) =	sbr.rel @p0 .LBB2_1-.Ltmp0, $4  }
0xdf: {  	[hbm4b:s15+s2] =	stream.linear.scatter [tilespmem:s25], [sflag:$0x3], $0x8000, $0x38;
	[tilespmem:$0x10200] =	vst v63  }
0xe0: {  	_ =	swait.ge [sflag:s8], $0x8000  }
0xe1: {  	[sflag:s8] =	ssyncset.done $0x0  }
0xe2: {  	s7 =	sadd.s32 $0xFFFFFFFF, s7;
	[sflag:s8] =	ssyncadd.s32 $0xFFFF8000  }
0xe3: {  	_ =	sfence.sel $0x180000  }
0xe4: {  	[bflag:$0x0] =	sbarrier.arrive $0xFFFF  }
0xe5: {  	_ =	strace $0x9000004A  }
0xe6: {  	s0 =	stileid.u32;
	[bflag:$0x2] =	sbarrier.arrive $0xFFFF  }
0xe7: {  	p0 =	sne.s32 s0, $0x0;
	s0 =	rddreg [dreg:$0x2]  }
0xe8: {  	s0 =	sadd.s32 @!p0 $0x100000, s0  }
0xe9: {  	[sflag:s0] =	ssyncadd.tile.s32 @!p0 $0x1;
	_ =	shalt  }
.Lfunc_end2:
_tile_overlayer_lowered:
.L_overlay_start_2:
0xea: {  	(tag) =	ssettag $0x2  }
0xeb: {  	s0 =	rddreg [dreg:$0x0];
	s2 =	stileid.u32  }
0xec: {  	s1 =	rddreg [dreg:$0x1];
	p0 =	sne.s32 s2, $0x0  }
0xed: {  	s3 =	rddreg [dreg:$0x2];
	[bflag:$0x3] =	sbarrier.arrive $0xFFFF;
	s2 =	simm.s32 @!p0 $0x1C03  }
0xee: {  	[timem:s3], [sflag:s2] =	dma.local @!p0 [hbm:s0], s1  }
0xef: {  	s0 =	simm.s32 @!p0 $0x3  }
0xf0: {  	_ =	swait.ge @!p0 [sflag:s0], s1  }
0xf1: {  	s1 =	ssub.s32 @!p0 $0x0, s1;
	[sflag:s0] =	ssyncset.done @!p0 $0x0  }
0xf2: {  	[sflag:s0] =	ssyncadd.s32 @!p0 s1  }
0xf3: {  	[bflag:$0x3] =	sbarrier.arrive $0xFFFF  }
0xf4: {  	_ =	shalt  }

// kernel: kernel.7.cloned.1.call-start
scs
__scs_entry_jumppad:
0x0: {  	(pc) =	sbr.rel $0x88, $3  }
0x1: {  	(tag) =	ssettag $0x0;
	lr =	simm.s32 $0x1  }
0x2: {  	[smem:$0x3F9B] =	sst lr;
	_ =	strace $0xD0000000  }
0x3: {  	_ = 	snop  }
0x4: {  	_ = 	snop  }
0x5: {  	_ = 	snop  }
0x6: {  	_ = 	snop  }
0x7: {  	_ = 	snop  }
__scs_overlays_trampoline_lowered:
0x8: {  	[smem:$0x3FAA] =	sst s0  }
0x9: {  	[smem:$0x3FAB] =	sst s1  }
0xa: {  	[smem:$0x3FAC] =	sst s2  }
0xb: {  	[smem:$0x3FAD] =	sst s3  }
0xc: {  	[smem:$0x3FAE] =	sst s4  }
0xd: {  	[smem:$0x3FAF] =	sst s5  }
0xe: {  	[smem:$0x3FB0] =	sst s6  }
0xf: {  	[smem:$0x3FB1] =	sst s7  }
0x10: {  	[smem:$0x3FB2] =	sst s8  }
0x11: {  	[smem:$0x3FB3] =	sst s9;
	s0 =	simm.s32 @!p0 $0x0  }
0x12: {  	s1 =	sld [smem:$0x3F99];
	s0 =	simm.s32 @p0 $0x1  }
0x13: {  	[smem:$0x3FB4] =	sst s0;
	s0 =	simm.s32 @!p1 $0x0  }
0x14: {  	s2 =	sld [smem:$0x3F98];
	s0 =	simm.s32 @p1 $0x1  }
0x15: {  	[smem:$0x3FB5] =	sst s0;
	s0 =	simm.s32 @!p2 $0x0  }
0x16: {  	s3 =	sld [smem:$0x3FDB];
	s0 =	simm.s32 @p2 $0x1  }
0x17: {  	s4 =	simm.s32 $0x1BF5;
	[smem:$0x3FB7] =	sst s0  }
0x18: {  	s0 =	sld [smem:$0x3F9A];
	_ =	swait.ge [sflag:s4], $0x0  }
0x19: {  	s7 =	sld [smem:$0x3F9B]  }
0x1a: {  	s8 =	sadd.s32 $0xFFFFE003, lr  }
0x1b: {  	s9 =	sadd.s32 $0xFFFFFEF7, lr;
	s5 =	simm.s32 $0xFFFFFFFF;
	p2 =	slt.u32 s8, $0xFFFFF086  }
0x1c: {  	p1 =	slt.u32 s9, $0xF7A;
	s5 =	simm.s32 @!p2 $0x0  }
0x1d: {  	s5 =	simm.s32 @p1 $0x1;
	p0 =	seq.s32 s7, s2  }
0x1e: {  	s7 =	smul.u32 @!p0 $0xF7A, s2;
	p2 =	seq.s32 @!p0 s5, $0x0  }
0x1f: {  	s9 =	smul.u32 $0xF7A, s1;
	s8 =	simm.s32 @!p0 $0x1BF5;
	p2 =	por !p2, p0  }
0x20: {  	[sflag:s8] =	ssyncset.s32 @!p0 $0xFFFFF086;
	s6 =	sadd.s32 @!p0 s3, s7;
	s7 =	simm.s32 @!p0 $0x108  }
0x21: {  	s3 =	sadd.s32 s3, s9;
	s6 =	sadd.s32 @!p0 $0x88, s6;
	s7 =	simm.s32 @p2 $0x1082  }
0x22: {  	[simem:s7], [sflag:s8] =	dma.local @!p0 [hbm:s6], $0xF7A  }
0x23: {  	s9 =	sor.u32 $0xD0000000, s2;
	s6 =	simm.s32 $0x108;
	_ =	swait.ge @!p0 [sflag:s8], $0x0  }
0x24: {  	s3 =	sadd.s32 $0x88, s3;
	s6 =	simm.s32 @!p1 $0x1082;
	[sflag:s4] =	ssyncset.s32 $0xFFFFF086  }
0x25: {  	[simem:s6], [sflag:s4] =	dma.local [hbm:s3], $0xF7A  }
0x26: {  	[smem:$0x3F9B] =	sst s1;
	(tag) =	ssettag s2;
	_ =	strace s9  }
0x27: {  	s1 =	sld [smem:$0x3FAB]  }
0x28: {  	s2 =	sld [smem:$0x3FAC]  }
0x29: {  	s4 =	sld [smem:$0x3FAE]  }
0x2a: {  	p0 =	seq.s32 s5, $0x0;
	s5 =	sld [smem:$0x3FAF]  }
0x2b: {  	s6 =	sld [smem:$0x3FB0]  }
0x2c: {  	s7 =	sld [smem:$0x3FB1]  }
0x2d: {  	s3 =	simm.s32 $0x108;
	s8 =	sld [smem:$0x3FB2]  }
0x2e: {  	s3 =	simm.s32 @!p0 $0x1082;
	s9 =	sld [smem:$0x3FB3]  }
0x2f: {  	lr =	sadd.s32 s0, s3;
	s0 =	sld [smem:$0x3FAA]  }
0x30: {  	s3 =	sld [smem:$0x3FAD]  }
0x31: {  	[smem:$0x3FB6] =	sst s10  }
0x32: {  	s10 =	sld [smem:$0x3FB4];
	_ =	sdelay $0x3  }
0x33: {  	p0 =	seq.s32 s10, $0x1;
	s10 =	sld [smem:$0x3FB6];
	_ =	sdelay $0x3  }
0x34: {  	[smem:$0x3FB6] =	sst s10  }
0x35: {  	s10 =	sld [smem:$0x3FB5];
	_ =	sdelay $0x3  }
0x36: {  	p1 =	seq.s32 s10, $0x1;
	s10 =	sld [smem:$0x3FB6];
	_ =	sdelay $0x3  }
0x37: {  	[smem:$0x3FB6] =	sst s10  }
0x38: {  	s10 =	sld [smem:$0x3FB7]  }
0x39: {  	_ = 	snop;
	(pc) =	sbr.ind lr, $3  }
0x3a: {  	_ = 	snop  }
0x3b: {  	_ = 	snop  }
0x3c: {  	p2 =	seq.s32 s10, $0x1;
	s10 =	sld [smem:$0x3FB6]  }
0x3d: {  	_ =	shalt  }
0x3e: {  	_ =	shalt  }
0x3f: {  	_ =	shalt  }
0x40: {  	_ =	shalt  }
0x41: {  	_ =	shalt  }
0x42: {  	_ =	shalt  }
0x43: {  	_ =	shalt  }
0x44: {  	_ =	shalt  }
0x45: {  	_ =	shalt  }
0x46: {  	_ =	shalt  }
0x47: {  	_ =	shalt  }
0x48: {  	_ =	shalt  }
0x49: {  	_ =	shalt  }
0x4a: {  	_ =	shalt  }
0x4b: {  	_ =	shalt  }
0x4c: {  	_ =	shalt  }
0x4d: {  	_ =	shalt  }
0x4e: {  	_ =	shalt  }
0x4f: {  	_ =	shalt  }
0x50: {  	_ =	shalt  }
0x51: {  	_ =	shalt  }
0x52: {  	_ =	shalt  }
0x53: {  	_ =	shalt  }
0x54: {  	_ =	shalt  }
0x55: {  	_ =	shalt  }
0x56: {  	_ =	shalt  }
0x57: {  	_ =	shalt  }
0x58: {  	_ =	shalt  }
0x59: {  	_ =	shalt  }
0x5a: {  	_ =	shalt  }
0x5b: {  	_ =	shalt  }
0x5c: {  	_ =	shalt  }
0x5d: {  	_ =	shalt  }
0x5e: {  	_ =	shalt  }
0x5f: {  	_ =	shalt  }
0x60: {  	_ =	shalt  }
0x61: {  	_ =	shalt  }
0x62: {  	_ =	shalt  }
0x63: {  	_ =	shalt  }
0x64: {  	_ =	shalt  }
0x65: {  	_ =	shalt  }
0x66: {  	_ =	shalt  }
0x67: {  	_ =	shalt  }
0x68: {  	_ =	shalt  }
0x69: {  	_ =	shalt  }
0x6a: {  	_ =	shalt  }
0x6b: {  	_ =	shalt  }
0x6c: {  	_ =	shalt  }
0x6d: {  	_ =	shalt  }
0x6e: {  	_ =	shalt  }
0x6f: {  	_ =	shalt  }
0x70: {  	_ =	shalt  }
0x71: {  	_ =	shalt  }
0x72: {  	_ =	shalt  }
0x73: {  	_ =	shalt  }
0x74: {  	_ =	shalt  }
0x75: {  	_ =	shalt  }
0x76: {  	_ =	shalt  }
0x77: {  	_ =	shalt  }
0x78: {  	_ =	shalt  }
0x79: {  	_ =	shalt  }
0x7a: {  	_ =	shalt  }
0x7b: {  	_ =	shalt  }
0x7c: {  	_ =	shalt  }
0x7d: {  	_ =	shalt  }
0x7e: {  	_ =	shalt  }
0x7f: {  	_ =	shalt  }
0x80: {  	_ =	shalt  }
0x81: {  	_ =	shalt  }
0x82: {  	_ =	shalt  }
0x83: {  	_ =	shalt  }
0x84: {  	_ =	shalt  }
0x85: {  	_ =	shalt  }
0x86: {  	_ =	shalt  }
0x87: {  	_ =	shalt  }
.Lfunc_end0:
.L_simem_size_0:
called_computation_lowered:
.L_overlay_start_0:
0x88: {  	s2 =	sld [smem:$0x3FD9]  }
0x89: {  	s3 =	sld [smem:$0x3FFE];
	_ =	sdelay $0x1  }
0x8a: {  	s1 =	srdreg.scid  }
0x8b: {  	s0 =	sand.u32 $0x1, s1  }
0x8c: {  	s14 =	sshll.u32 s0, $0xA;
	s2 =	sadd.s32 s3, s2  }
0x8d: {  	s2 =	sadd.s32 s2, s14  }
0x8e: {  	[smem:$0x3FC2] =	sst s2  }
0x8f: {  	_ = 	snop  }
0x90: {  	s2 =	sld [smem:$0x3FD0];
	_ =	sdelay $0x2  }
0x91: {  	s4 =	simm.s32 $0xA;
	s5 =	simm.s32 $0x10;
	s15 =	sld [smem:$0x3FC9]  }
0x92: {  	[smem:s5], [sflag:s4] =	dma.local [hbm:s2], $0x1  }
0x93: {  	_ =	swait.eq [sflag:s4], $0x1  }
0x94: {  	[sflag:s4] =	ssyncset.done $0x0  }
0x95: {  	[sflag:s4] =	ssyncadd.s32 $0xFFFFFFFF  }
0x96: {  	s16 =	sld [smem:$0x10];
	(tm) =	ssettm $0x1  }
0x97: {  	s17 =	sld [smem:$0x3FFB];
	_ =	sdelay $0x3  }
0x98: {  	_ =	strace s17  }
0x99: {  	s4 =	sld [smem:$0x3FFC];
	_ =	sdelay $0x3  }
0x9a: {  	_ =	strace s4  }
0x9b: {  	s4 =	sld [smem:$0x3FFD];
	_ =	sdelay $0x3  }
0x9c: {  	_ =	strace s4  }
0x9d: {  	_ =	strace $0x8FFFFFFF  }
0x9e: {  	s18 =	sld [smem:$0x3FDB];
	_ =	sdelay $0x1  }
0x9f: {  	s19 =	simm.s32 $_scs_section_size  }
0xa0: {  	s6 =	simm.s32 $_size__tile_overlayer_lowered;
	s7 =	simm.s32 $_tile_overlayer_lowered  }
0xa1: {  	s22 =	simm.s32 $0x1BFF;
	s21 =	sshll.u32 s7, $0x1;
	s4 =	sadd.s32 s19, s18  }
0xa2: {  	s8 =	simm.s32 $0x0;
	s20 =	sshll.u32 s6, $0x1;
	s6 =	sadd.s32 s21, s4  }
0xa3: {  	[timem:s8], [sflag:s22] =	dma.local [hbm:s6], s20  }
0xa4: {  	_ =	swait.ge [sflag:s22], s20  }
0xa5: {  	s5 =	ssub.s32 $0x0, s20;
	[sflag:s22] =	ssyncset.done $0x0  }
0xa6: {  	[sflag:s22] =	ssyncadd.s32 s5;
	_ =	sdelay $0x1  }
0xa7: {  	s23 =	simm.s32 $0x1B8B  }
0xa8: {  	_ =	swait.ge [sflag:s23], $0x1  }
0xa9: {  	[sflag:s23] =	ssyncset.done $0x0  }
0xaa: {  	s25 =	simm.s32 $0x1B8E;
	s24 =	sld [smem:$0x3FFE];
	[sflag:s23] =	ssyncadd.s32 $0xFFFFFFFF  }
0xab: {  	s26 =	simm.s32 $execute0_lowered;
	[smem:$0x3FD2] =	sst s25  }
0xac: {  	s6 =	sshll.u32 s26, $0x1;
	_ =	strace $0x80000046;
	[dreg:$0x1] =	wrdreg $0xFFFFFFFF  }
0xad: {  	s28 =	simm.s32 $_size_execute0_lowered;
	s4 =	sadd.s32 s4, s6;
	[dreg:$0x0] =	wrdreg $0x0  }
0xae: {  	s6 =	sshll.u32 s28, $0x1;
	[dreg:$0x2] =	wrdreg s4  }
0xaf: {  	[dreg:$0x3] =	wrdreg s6  }
0xb0: {  	[dreg:$0x4] =	wrdreg $0xC0  }
0xb1: {  	_ =	task [dreg:s8], $0x5FFFF  }
0xb2: {  	[dreg:$0x1] =	wrdreg $0xFFFFFFFF  }
0xb3: {  	[dreg:$0x0] =	wrdreg $0x60  }
0xb4: {  	[dreg:$0x2] =	wrdreg s16  }
0xb5: {  	[dreg:$0x3] =	wrdreg s15  }
0xb6: {  	[dreg:$0x4] =	wrdreg s24  }
0xb7: {  	[dreg:$0x5] =	wrdreg $0x9  }
0xb8: {  	_ =	task.clear_ibuf [dreg:s8], $0x6FFFF;
	_ =	strace $0x90000046  }
0xb9: {  	s29 =	simm.s32 $0x9;
	_ =	strace $0x80000048  }
0xba: {  	_ =	swait.ge [sflag:s29], $0x1  }
0xbb: {  	[sflag:s29] =	ssyncadd.s32 $0xFFFFFFFF  }
0xbc: {  	_ =	strace $0x90000048  }
0xbd: {  	_ =	sfence  }
0xbe: {  	s30 =	sld [smem:$0x0];
	_ =	sdelay $0x2  }
0xbf: {  	s31 =	sshll.u32 s1, $0xD;
	s1 =	sshrl.u32 s1, $0x2  }
0xc0: {  	s3 =	sand.u32 $0x4000, s31;
	s1 =	sadd.s32 s1, s30  }
0xc1: {  	s0 =	sor.u32 s3, s0;
	s1 =	sshll.u32 s1, $0x11  }
0xc2: {  	s0 =	sor.u32 s1, s0  }
0xc3: {  	s0 =	sadd.s32 $0x8F2B, s0  }
0xc4: {  	[sflag:s0] =	ssyncadd.remote.s32 $0x1  }
0xc5: {  	_ =	sfence.sel $0xFFFF  }
0xc6: {  	[dreg:$0x0] =	wrdreg $0xFFFFFFFF;
	(pc) =	sbr.abs _section_cstart, $3  }
0xc7: {  	[dreg:$0x1] =	wrdreg $0xFFFFFFFF  }
0xc8: {  	_ =	task.clear_ibuf [dreg:s8], $0x2FFFF;
	_ =	strace $0x9FFFFFFF  }
0xc9: {  	(tm) =	ssettm $0x7FFFFFFF  }
tec
execute0_lowered:
.L_overlay_start_1:
0x0: {  	(tag) =	ssettag $0x1  }
0x1: {  	s0 =	rddreg [dreg:$0x0]  }
0x2: {  	s1 =	rddreg [dreg:$0x1]  }
0x3: {  	s6 =	rddreg [dreg:$0x2]  }
0x4: {  	s2 =	srdreg.scid;
	s5 =	stileid.u32;
	s18 =	simm.s32 $0x100  }
0x5: {  	s21 =	simm.s32 $0x1100;
	s22 =	simm.s32 $0x1900;
	s28 =	simm.s32 $0x4100  }
0x6: {  	s29 =	simm.s32 $0x4900;
	s30 =	simm.s32 $0x5100;
	s31 =	simm.s32 $0x5900  }
0x7: {  	s10 =	simm.s32 $0x7100;
	s11 =	simm.s32 $0x7900;
	s12 =	simm.s32 $0x8100  }
0x8: {  	s13 =	simm.s32 $0x8900;
	s14 =	simm.s32 $0x9100;
	s15 =	simm.s32 $0x9900  }
0x9: {  	s16 =	simm.s32 $0xA100;
	s17 =	simm.s32 $0xA900;
	s9 =	simm.s32 $0xB100  }
0xa: {  	s19 =	simm.s32 $0xB900;
	s3 =	sand.u32 $0x1, s2;
	s2 =	simm.s32 $0x0  }
0xb: {  	s8 =	simm.s32 $0xC100;
	s4 =	sshll.u32 s3, $0x4;
	[smem:$0x7FF] =	sst s2  }
0xc: {  	s7 =	ssub.s32 $0x2, s3;
	s3 =	sadd.s32 $0x1800, s6;
	s4 =	sor.u32 s5, s4  }
0xd: {  	_ =	strace $0x80000047;
	s24 =	sshrl.u32 s7, $0x1;
	s5 =	sshll.u32 s4, $0x5  }
0xe: {  	s23 =	sshll.u32 s4, $0xD;
	s26 =	ssub.s32 s7, s24;
	s4 =	sadd.s32 $0x1900, s6  }
0xf: {  	s24 =	simm.s32 $0x2900;
	s0 =	sadd.s32 s0, s5;
	s25 =	sadd.s32 s1, s23  }
0x10: {  	v2 =	vlaneseq.u32;
	s5 =	sadd.s32 $0x1A00, s6;
	s6 =	sadd.s32 $0x1B00, s6;
	s7 =	smax.u32 s26, $0x1  }
0x11: {  	vm0 =	vmmov $0xffff;
	v1 =	vshrl.u32 v2, $0x3;
	s23 =	simm.s32 $0x2100;
	s26 =	simm.s32 $0x3900;
	[dreg:$0x4] =	wrdreg s0  }
0x12: {  	v0 =	vand.u32 $0x7, v2;
	v2 =	vor.u32 $0x8, v2;
	v1 =	vmul.u32 $0x8, v1;
	s1 =	simm.s32 $0x6900;
	[dreg:$0x5] =	wrdreg s25;
	s25 =	simm.s32 $0x3100  }
.LBB2_1:
0x13: {  	s20 =	rddreg [dreg:$0x4];
	s0 =	simm.s32 $0x3  }
0x14: {  	[tilespmem:s2], [sflag:$0x3] =	stream.linear.gather [hbm4b:s20+s2], $0x100, $0x38;
	[tilespmem:$0x10100] =	vst v63  }
0x15: {  	_ =	swait.ge [sflag:s0], $0x100  }
0x16: {  	[sflag:s0] =	ssyncset.done $0x0  }
0x17: {  	s20 =	rddreg [dreg:$0x5];
	[sflag:s0] =	ssyncadd.s32 $0xFFFFFF00  }
0x18: {  	[tilespmem:s18], [sflag:$0x3] =	stream.linear.gather [hbm4b:s20+s2], $0x10000, $0x38;
	[tilespmem:$0x10100] =	vst v63  }
0x19: {  	_ =	swait.ge [sflag:s0], $0x10000  }
0x1a: {  	[sflag:s0] =	ssyncset.done $0x0  }
0x1b: {  	[sflag:s0] =	ssyncadd.s32 $0xFFFF0000  }
0x1c: {  	v3 =	vld [tilespmem:$0x0];
	_ =	sdelay $0x4  }
0x1d: {  	v4 =	vshll.u32 v3, $0x3  }
0x1e: {  	v3 =	vand.u32 $0x7, v3;
	v4 =	vand.u32 $0xFFFFFFC0, v4  }
0x1f: {  	v3 =	vor.u32 v3, v4  }
0x20: {  	v4 =	vperm.xlane v3, v0;
	_ =	sdelay $0x1  }
0x21: {  	v4 =	vadd.s32 v1, v4;
	_ =	sdelay $0x4  }
0x22: {  	[hbm4b:s3+s2] =	stream.indirect_vreg.scatter [tilespmem:s18], [sflag:$0x1], $0x80, v4, vm0, $0xb8;
	[tilespmem:$0x10100] =	vst v63  }
0x23: {  	s20 =	simm.s32 $0x900;
	v3 =	vperm.xlane v3, v2  }
0x24: {  	[hbm4b:s4+s2] =	stream.indirect_vreg.scatter [tilespmem:s20], [sflag:$0x1], $0x80, v4, vm0, $0xb8;
	[tilespmem:$0x10100] =	vst v63  }
0x25: {  	v3 =	vadd.s32 v1, v3  }
0x26: {  	[hbm4b:s5+s2] =	stream.indirect_vreg.scatter [tilespmem:s21], [sflag:$0x1], $0x80, v4, vm0, $0xb8;
	[tilespmem:$0x10100] =	vst v63  }
0x27: {  	_ = 	snop  }
0x28: {  	[hbm4b:s6+s2] =	stream.indirect_vreg.scatter [tilespmem:s22], [sflag:$0x1], $0x80, v4, vm0, $0xb8;
	[tilespmem:$0x10100] =	vst v63  }
0x29: {  	_ = 	snop  }
0x2a: {  	[hbm4b:s3+s2] =	stream.indirect_vreg.scatter [tilespmem:s23], [sflag:$0x1], $0x80, v3, vm0, $0xb8;
	[tilespmem:$0x10100] =	vst v63  }
0x2b: {  	_ = 	snop  }
0x2c: {  	[hbm4b:s4+s2] =	stream.indirect_vreg.scatter [tilespmem:s24], [sflag:$0x1], $0x80, v3, vm0, $0xb8;
	[tilespmem:$0x10100] =	vst v63  }
0x2d: {  	_ = 	snop  }
0x2e: {  	[hbm4b:s5+s2] =	stream.indirect_vreg.scatter [tilespmem:s25], [sflag:$0x1], $0x80, v3, vm0, $0xb8;
	[tilespmem:$0x10100] =	vst v63  }
0x2f: {  	_ = 	snop  }
0x30: {  	[hbm4b:s6+s2] =	stream.indirect_vreg.scatter [tilespmem:s26], [sflag:$0x1], $0x80, v3, vm0, $0xb8;
	[tilespmem:$0x10100] =	vst v63  }
0x31: {  	v3 =	vld [tilespmem:$0x10];
	_ =	sdelay $0x4  }
0x32: {  	v57 =	vshll.u32 v3, $0x3  }
0x33: {  	v3 =	vand.u32 $0x7, v3;
	v4 =	vand.u32 $0xFFFFFFC0, v57  }
0x34: {  	v3 =	vor.u32 v3, v4  }
0x35: {  	v4 =	vperm.xlane v3, v0;
	_ =	sdelay $0x1  }
0x36: {  	v4 =	vadd.s32 v1, v4;
	_ =	sdelay $0x4  }
0x37: {  	[hbm4b:s3+s2] =	stream.indirect_vreg.scatter [tilespmem:s28], [sflag:$0x1], $0x80, v4, vm0, $0xb8;
	[tilespmem:$0x10100] =	vst v63  }
0x38: {  	v3 =	vperm.xlane v3, v2  }
0x39: {  	[hbm4b:s4+s2] =	stream.indirect_vreg.scatter [tilespmem:s29], [sflag:$0x1], $0x80, v4, vm0, $0xb8;
	[tilespmem:$0x10100] =	vst v63  }
0x3a: {  	v3 =	vadd.s32 v1, v3  }
0x3b: {  	[hbm4b:s5+s2] =	stream.indirect_vreg.scatter [tilespmem:s30], [sflag:$0x1], $0x80, v4, vm0, $0xb8;
	[tilespmem:$0x10100] =	vst v63  }
0x3c: {  	_ = 	snop  }
0x3d: {  	[hbm4b:s6+s2] =	stream.indirect_vreg.scatter [tilespmem:s31], [sflag:$0x1], $0x80, v4, vm0, $0xb8;
	[tilespmem:$0x10100] =	vst v63  }
0x3e: {  	s0 =	simm.s32 $0x6100  }
0x3f: {  	[hbm4b:s3+s2] =	stream.indirect_vreg.scatter [tilespmem:s0], [sflag:$0x1], $0x80, v3, vm0, $0xb8;
	[tilespmem:$0x10100] =	vst v63  }
0x40: {  	_ = 	snop  }
0x41: {  	[hbm4b:s4+s2] =	stream.indirect_vreg.scatter [tilespmem:s1], [sflag:$0x1], $0x80, v3, vm0, $0xb8;
	[tilespmem:$0x10100] =	vst v63  }
0x42: {  	_ = 	snop  }
0x43: {  	[hbm4b:s5+s2] =	stream.indirect_vreg.scatter [tilespmem:s10], [sflag:$0x1], $0x80, v3, vm0, $0xb8;
	[tilespmem:$0x10100] =	vst v63  }
0x44: {  	_ = 	snop  }
0x45: {  	[hbm4b:s6+s2] =	stream.indirect_vreg.scatter [tilespmem:s11], [sflag:$0x1], $0x80, v3, vm0, $0xb8;
	[tilespmem:$0x10100] =	vst v63  }
0x46: {  	v3 =	vld [tilespmem:$0x20];
	_ =	sdelay $0x4  }
0x47: {  	v58 =	vshll.u32 v3, $0x3  }
0x48: {  	v3 =	vand.u32 $0x7, v3;
	v4 =	vand.u32 $0xFFFFFFC0, v58  }
0x49: {  	v3 =	vor.u32 v3, v4  }
0x4a: {  	v4 =	vperm.xlane v3, v0;
	_ =	sdelay $0x1  }
0x4b: {  	v4 =	vadd.s32 v1, v4;
	_ =	sdelay $0x4  }
0x4c: {  	[hbm4b:s3+s2] =	stream.indirect_vreg.scatter [tilespmem:s12], [sflag:$0x1], $0x80, v4, vm0, $0xb8;
	[tilespmem:$0x10100] =	vst v63  }
0x4d: {  	v3 =	vperm.xlane v3, v2  }
0x4e: {  	[hbm4b:s4+s2] =	stream.indirect_vreg.scatter [tilespmem:s13], [sflag:$0x1], $0x80, v4, vm0, $0xb8;
	[tilespmem:$0x10100] =	vst v63  }
0x4f: {  	v3 =	vadd.s32 v1, v3  }
0x50: {  	[hbm4b:s5+s2] =	stream.indirect_vreg.scatter [tilespmem:s14], [sflag:$0x1], $0x80, v4, vm0, $0xb8;
	[tilespmem:$0x10100] =	vst v63  }
0x51: {  	_ = 	snop  }
0x52: {  	[hbm4b:s6+s2] =	stream.indirect_vreg.scatter [tilespmem:s15], [sflag:$0x1], $0x80, v4, vm0, $0xb8;
	[tilespmem:$0x10100] =	vst v63  }
0x53: {  	_ = 	snop  }
0x54: {  	[hbm4b:s3+s2] =	stream.indirect_vreg.scatter [tilespmem:s16], [sflag:$0x1], $0x80, v3, vm0, $0xb8;
	[tilespmem:$0x10100] =	vst v63  }
0x55: {  	_ = 	snop  }
0x56: {  	[hbm4b:s4+s2] =	stream.indirect_vreg.scatter [tilespmem:s17], [sflag:$0x1], $0x80, v3, vm0, $0xb8;
	[tilespmem:$0x10100] =	vst v63  }
0x57: {  	_ = 	snop  }
0x58: {  	[hbm4b:s5+s2] =	stream.indirect_vreg.scatter [tilespmem:s9], [sflag:$0x1], $0x80, v3, vm0, $0xb8;
	[tilespmem:$0x10100] =	vst v63  }
0x59: {  	_ = 	snop  }
0x5a: {  	[hbm4b:s6+s2] =	stream.indirect_vreg.scatter [tilespmem:s19], [sflag:$0x1], $0x80, v3, vm0, $0xb8;
	[tilespmem:$0x10100] =	vst v63  }
0x5b: {  	v3 =	vld [tilespmem:$0x30];
	_ =	sdelay $0x4  }
0x5c: {  	v59 =	vshll.u32 v3, $0x3  }
0x5d: {  	v3 =	vand.u32 $0x7, v3;
	v4 =	vand.u32 $0xFFFFFFC0, v59  }
0x5e: {  	v3 =	vor.u32 v3, v4  }
0x5f: {  	v4 =	vperm.xlane v3, v0;
	_ =	sdelay $0x1  }
0x60: {  	v4 =	vadd.s32 v1, v4;
	_ =	sdelay $0x4  }
0x61: {  	[hbm4b:s3+s2] =	stream.indirect_vreg.scatter [tilespmem:s8], [sflag:$0x1], $0x80, v4, vm0, $0xb8;
	[tilespmem:$0x10100] =	vst v63  }
0x62: {  	s0 =	simm.s32 $0xC900;
	v3 =	vperm.xlane v3, v2  }
0x63: {  	[hbm4b:s4+s2] =	stream.indirect_vreg.scatter [tilespmem:s0], [sflag:$0x1], $0x80, v4, vm0, $0xb8;
	[tilespmem:$0x10100] =	vst v63  }
0x64: {  	v3 =	vadd.s32 v1, v3;
	s0 =	simm.s32 $0xD100  }
0x65: {  	[hbm4b:s5+s2] =	stream.indirect_vreg.scatter [tilespmem:s0], [sflag:$0x1], $0x80, v4, vm0, $0xb8;
	[tilespmem:$0x10100] =	vst v63  }
0x66: {  	s0 =	simm.s32 $0xD900  }
0x67: {  	[hbm4b:s6+s2] =	stream.indirect_vreg.scatter [tilespmem:s0], [sflag:$0x1], $0x80, v4, vm0, $0xb8;
	[tilespmem:$0x10100] =	vst v63  }
0x68: {  	s0 =	simm.s32 $0xE100  }
0x69: {  	[hbm4b:s3+s2] =	stream.indirect_vreg.scatter [tilespmem:s0], [sflag:$0x1], $0x80, v3, vm0, $0xb8;
	[tilespmem:$0x10100] =	vst v63  }
0x6a: {  	s0 =	simm.s32 $0xE900  }
0x6b: {  	[hbm4b:s4+s2] =	stream.indirect_vreg.scatter [tilespmem:s0], [sflag:$0x1], $0x80, v3, vm0, $0xb8;
	[tilespmem:$0x10100] =	vst v63  }
0x6c: {  	s0 =	simm.s32 $0xF100  }
0x6d: {  	[hbm4b:s5+s2] =	stream.indirect_vreg.scatter [tilespmem:s0], [sflag:$0x1], $0x80, v3, vm0, $0xb8;
	[tilespmem:$0x10100] =	vst v63  }
0x6e: {  	s0 =	simm.s32 $0xF900  }
0x6f: {  	[hbm4b:s6+s2] =	stream.indirect_vreg.scatter [tilespmem:s0], [sflag:$0x1], $0x80, v3, vm0, $0xb8;
	[tilespmem:$0x10100] =	vst v63  }
0x70: {  	v3 =	vld [tilespmem:$0x80];
	_ =	sdelay $0x4  }
0x71: {  	v60 =	vshll.u32 v3, $0x3  }
0x72: {  	v3 =	vand.u32 $0x7, v3;
	v4 =	vand.u32 $0xFFFFFFC0, v60  }
0x73: {  	v3 =	vor.u32 v3, v4  }
0x74: {  	v4 =	vperm.xlane v3, v0;
	_ =	sdelay $0x1  }
0x75: {  	v4 =	vadd.s32 v1, v4;
	_ =	sdelay $0x4  }
0x76: {  	[hbm4b:s3+s2] =	stream.indirect_vreg.scatter [tilespmem:s18], [sflag:$0x2], $0x80, v4, vm0, $0xb8;
	[tilespmem:$0x10100] =	vst v63  }
0x77: {  	v3 =	vperm.xlane v3, v2  }
0x78: {  	[hbm4b:s4+s2] =	stream.indirect_vreg.scatter [tilespmem:s20], [sflag:$0x2], $0x80, v4, vm0, $0xb8;
	[tilespmem:$0x10100] =	vst v63  }
0x79: {  	v3 =	vadd.s32 v1, v3  }
0x7a: {  	[hbm4b:s5+s2] =	stream.indirect_vreg.scatter [tilespmem:s21], [sflag:$0x2], $0x80, v4, vm0, $0xb8;
	[tilespmem:$0x10100] =	vst v63  }
0x7b: {  	_ = 	snop  }
0x7c: {  	[hbm4b:s6+s2] =	stream.indirect_vreg.scatter [tilespmem:s22], [sflag:$0x2], $0x80, v4, vm0, $0xb8;
	[tilespmem:$0x10100] =	vst v63  }
0x7d: {  	_ = 	snop  }
0x7e: {  	[hbm4b:s3+s2] =	stream.indirect_vreg.scatter [tilespmem:s23], [sflag:$0x2], $0x80, v3, vm0, $0xb8;
	[tilespmem:$0x10100] =	vst v63  }
0x7f: {  	_ = 	snop  }
0x80: {  	[hbm4b:s4+s2] =	stream.indirect_vreg.scatter [tilespmem:s24], [sflag:$0x2], $0x80, v3, vm0, $0xb8;
	[tilespmem:$0x10100] =	vst v63  }
0x81: {  	_ = 	snop  }
0x82: {  	[hbm4b:s5+s2] =	stream.indirect_vreg.scatter [tilespmem:s25], [sflag:$0x2], $0x80, v3, vm0, $0xb8;
	[tilespmem:$0x10100] =	vst v63  }
0x83: {  	_ = 	snop  }
0x84: {  	[hbm4b:s6+s2] =	stream.indirect_vreg.scatter [tilespmem:s26], [sflag:$0x2], $0x80, v3, vm0, $0xb8;
	[tilespmem:$0x10100] =	vst v63  }
0x85: {  	v3 =	vld [tilespmem:$0x90];
	_ =	sdelay $0x4  }
0x86: {  	v61 =	vshll.u32 v3, $0x3  }
0x87: {  	v3 =	vand.u32 $0x7, v3;
	v4 =	vand.u32 $0xFFFFFFC0, v61  }
0x88: {  	v3 =	vor.u32 v3, v4  }
0x89: {  	v4 =	vperm.xlane v3, v0;
	_ =	sdelay $0x1  }
0x8a: {  	v4 =	vadd.s32 v1, v4;
	_ =	sdelay $0x4  }
0x8b: {  	[hbm4b:s3+s2] =	stream.indirect_vreg.scatter [tilespmem:s28], [sflag:$0x2], $0x80, v4, vm0, $0xb8;
	[tilespmem:$0x10100] =	vst v63  }
0x8c: {  	v3 =	vperm.xlane v3, v2  }
0x8d: {  	[hbm4b:s4+s2] =	stream.indirect_vreg.scatter [tilespmem:s29], [sflag:$0x2], $0x80, v4, vm0, $0xb8;
	[tilespmem:$0x10100] =	vst v63  }
0x8e: {  	v3 =	vadd.s32 v1, v3  }
0x8f: {  	[hbm4b:s5+s2] =	stream.indirect_vreg.scatter [tilespmem:s30], [sflag:$0x2], $0x80, v4, vm0, $0xb8;
	[tilespmem:$0x10100] =	vst v63  }
0x90: {  	_ = 	snop  }
0x91: {  	[hbm4b:s6+s2] =	stream.indirect_vreg.scatter [tilespmem:s31], [sflag:$0x2], $0x80, v4, vm0, $0xb8;
	[tilespmem:$0x10100] =	vst v63  }
0x92: {  	s20 =	simm.s32 $0x6100  }
0x93: {  	[hbm4b:s3+s2] =	stream.indirect_vreg.scatter [tilespmem:s20], [sflag:$0x2], $0x80, v3, vm0, $0xb8;
	[tilespmem:$0x10100] =	vst v63  }
0x94: {  	_ = 	snop  }
0x95: {  	[hbm4b:s4+s2] =	stream.indirect_vreg.scatter [tilespmem:s1], [sflag:$0x2], $0x80, v3, vm0, $0xb8;
	[tilespmem:$0x10100] =	vst v63  }
0x96: {  	_ = 	snop  }
0x97: {  	[hbm4b:s5+s2] =	stream.indirect_vreg.scatter [tilespmem:s10], [sflag:$0x2], $0x80, v3, vm0, $0xb8;
	[tilespmem:$0x10100] =	vst v63  }
0x98: {  	_ = 	snop  }
0x99: {  	[hbm4b:s6+s2] =	stream.indirect_vreg.scatter [tilespmem:s11], [sflag:$0x2], $0x80, v3, vm0, $0xb8;
	[tilespmem:$0x10100] =	vst v63  }
0x9a: {  	v3 =	vld [tilespmem:$0xA0];
	_ =	sdelay $0x4  }
0x9b: {  	v62 =	vshll.u32 v3, $0x3  }
0x9c: {  	v3 =	vand.u32 $0x7, v3;
	v4 =	vand.u32 $0xFFFFFFC0, v62  }
0x9d: {  	v3 =	vor.u32 v3, v4  }
0x9e: {  	v4 =	vperm.xlane v3, v0;
	_ =	sdelay $0x1  }
0x9f: {  	v4 =	vadd.s32 v1, v4;
	_ =	sdelay $0x4  }
0xa0: {  	[hbm4b:s3+s2] =	stream.indirect_vreg.scatter [tilespmem:s12], [sflag:$0x2], $0x80, v4, vm0, $0xb8;
	[tilespmem:$0x10100] =	vst v63  }
0xa1: {  	v3 =	vperm.xlane v3, v2  }
0xa2: {  	[hbm4b:s4+s2] =	stream.indirect_vreg.scatter [tilespmem:s13], [sflag:$0x2], $0x80, v4, vm0, $0xb8;
	[tilespmem:$0x10100] =	vst v63  }
0xa3: {  	v3 =	vadd.s32 v1, v3  }
0xa4: {  	[hbm4b:s5+s2] =	stream.indirect_vreg.scatter [tilespmem:s14], [sflag:$0x2], $0x80, v4, vm0, $0xb8;
	[tilespmem:$0x10100] =	vst v63  }
0xa5: {  	_ = 	snop  }
0xa6: {  	[hbm4b:s6+s2] =	stream.indirect_vreg.scatter [tilespmem:s15], [sflag:$0x2], $0x80, v4, vm0, $0xb8;
	[tilespmem:$0x10100] =	vst v63  }
0xa7: {  	_ = 	snop  }
0xa8: {  	[hbm4b:s3+s2] =	stream.indirect_vreg.scatter [tilespmem:s16], [sflag:$0x2], $0x80, v3, vm0, $0xb8;
	[tilespmem:$0x10100] =	vst v63  }
0xa9: {  	_ = 	snop  }
0xaa: {  	[hbm4b:s4+s2] =	stream.indirect_vreg.scatter [tilespmem:s17], [sflag:$0x2], $0x80, v3, vm0, $0xb8;
	[tilespmem:$0x10100] =	vst v63  }
0xab: {  	_ = 	snop  }
0xac: {  	[hbm4b:s5+s2] =	stream.indirect_vreg.scatter [tilespmem:s9], [sflag:$0x2], $0x80, v3, vm0, $0xb8;
	[tilespmem:$0x10100] =	vst v63  }
0xad: {  	_ = 	snop  }
0xae: {  	[hbm4b:s6+s2] =	stream.indirect_vreg.scatter [tilespmem:s19], [sflag:$0x2], $0x80, v3, vm0, $0xb8;
	[tilespmem:$0x10100] =	vst v63  }
0xaf: {  	v3 =	vld [tilespmem:$0xB0];
	_ =	sdelay $0x4  }
0xb0: {  	v63 =	vshll.u32 v3, $0x3  }
0xb1: {  	v3 =	vand.u32 $0x7, v3;
	v4 =	vand.u32 $0xFFFFFFC0, v63  }
0xb2: {  	v3 =	vor.u32 v3, v4  }
0xb3: {  	v4 =	vperm.xlane v3, v0;
	_ =	sdelay $0x1  }
0xb4: {  	v4 =	vadd.s32 v1, v4;
	_ =	sdelay $0x4  }
0xb5: {  	[hbm4b:s3+s2] =	stream.indirect_vreg.scatter [tilespmem:s8], [sflag:$0x2], $0x80, v4, vm0, $0xb8;
	[tilespmem:$0x10100] =	vst v63  }
0xb6: {  	s20 =	simm.s32 $0xC900;
	v3 =	vperm.xlane v3, v2  }
0xb7: {  	[hbm4b:s4+s2] =	stream.indirect_vreg.scatter [tilespmem:s20], [sflag:$0x2], $0x80, v4, vm0, $0xb8;
	[tilespmem:$0x10100] =	vst v63  }
0xb8: {  	v3 =	vadd.s32 v1, v3;
	s20 =	simm.s32 $0xD100  }
0xb9: {  	[hbm4b:s5+s2] =	stream.indirect_vreg.scatter [tilespmem:s20], [sflag:$0x2], $0x80, v4, vm0, $0xb8;
	[tilespmem:$0x10100] =	vst v63  }
0xba: {  	s20 =	simm.s32 $0xD900  }
0xbb: {  	[hbm4b:s6+s2] =	stream.indirect_vreg.scatter [tilespmem:s20], [sflag:$0x2], $0x80, v4, vm0, $0xb8;
	[tilespmem:$0x10100] =	vst v63  }
0xbc: {  	s20 =	simm.s32 $0xE100  }
0xbd: {  	[hbm4b:s3+s2] =	stream.indirect_vreg.scatter [tilespmem:s20], [sflag:$0x2], $0x80, v3, vm0, $0xb8;
	[tilespmem:$0x10100] =	vst v63  }
0xbe: {  	s20 =	simm.s32 $0xE900  }
0xbf: {  	[hbm4b:s4+s2] =	stream.indirect_vreg.scatter [tilespmem:s20], [sflag:$0x2], $0x80, v3, vm0, $0xb8;
	[tilespmem:$0x10100] =	vst v63  }
0xc0: {  	s20 =	simm.s32 $0xF100  }
0xc1: {  	[hbm4b:s5+s2] =	stream.indirect_vreg.scatter [tilespmem:s20], [sflag:$0x2], $0x80, v3, vm0, $0xb8;
	[tilespmem:$0x10100] =	vst v63  }
0xc2: {  	s20 =	simm.s32 $0xF900  }
0xc3: {  	[hbm4b:s6+s2] =	stream.indirect_vreg.scatter [tilespmem:s20], [sflag:$0x2], $0x80, v3, vm0, $0xb8;
	[tilespmem:$0x10100] =	vst v63  }
0xc4: {  	s20 =	simm.s32 $0x1  }
0xc5: {  	p0 =	sne.s32 s7, $0x1;
	_ =	swait.ge [sflag:s20], $0x10000  }
.Ltmp0:
0xc6: {  	[sflag:s20] =	ssyncset.done $0x0;
	(pc) =	sbr.rel @p0 .LBB2_1-.Ltmp0, $4  }
0xc7: {  	[sflag:s20] =	ssyncadd.s32 $0xFFFF0000;
	s20 =	simm.s32 $0x2  }
0xc8: {  	_ =	swait.ge [sflag:s20], $0x10000  }
0xc9: {  	[sflag:s20] =	ssyncset.done $0x0  }
0xca: {  	s7 =	sadd.s32 $0xFFFFFFFF, s7;
	[sflag:s20] =	ssyncadd.s32 $0xFFFF0000  }
0xcb: {  	_ =	sfence.sel $0x180000  }
0xcc: {  	[bflag:$0x0] =	sbarrier.arrive $0xFFFF  }
0xcd: {  	_ =	strace $0x90000047  }
0xce: {  	s0 =	stileid.u32;
	[bflag:$0x2] =	sbarrier.arrive $0xFFFF  }
0xcf: {  	p0 =	sne.s32 s0, $0x0;
	s0 =	rddreg [dreg:$0x3]  }
0xd0: {  	s0 =	sadd.s32 @!p0 $0x100000, s0  }
0xd1: {  	[sflag:s0] =	ssyncadd.tile.s32 @!p0 $0x1;
	_ =	shalt  }
.Lfunc_end2:
_tile_overlayer_lowered:
.L_overlay_start_2:
0xd2: {  	(tag) =	ssettag $0x2  }
0xd3: {  	s0 =	rddreg [dreg:$0x0];
	s2 =	stileid.u32  }
0xd4: {  	s1 =	rddreg [dreg:$0x1];
	p0 =	sne.s32 s2, $0x0  }
0xd5: {  	s3 =	rddreg [dreg:$0x2];
	[bflag:$0x3] =	sbarrier.arrive $0xFFFF;
	s2 =	simm.s32 @!p0 $0x1C03  }
0xd6: {  	[timem:s3], [sflag:s2] =	dma.local @!p0 [hbm:s0], s1  }
0xd7: {  	s0 =	simm.s32 @!p0 $0x3  }
0xd8: {  	_ =	swait.ge @!p0 [sflag:s0], s1  }
0xd9: {  	s1 =	ssub.s32 @!p0 $0x0, s1;
	[sflag:s0] =	ssyncset.done @!p0 $0x0  }
0xda: {  	[sflag:s0] =	ssyncadd.s32 @!p0 s1  }
0xdb: {  	[bflag:$0x3] =	sbarrier.arrive $0xFFFF  }
0xdc: {  	_ =	shalt  }

</sc_bundles>
